<compile_context>
chip_gen: v7x
topology: tpu7x:2x2x1
jax: 0.10.2.dev20260603
libtpu: 0.0.44.dev20260713+nightly
codegen_flags: <defaults>
</compile_context>

<pallas_src>
import functools

import jax
import jax.numpy as jnp
from jax import lax
from jax.experimental import pallas as pl
from jax.experimental.pallas import tpu as pltpu
from jax.experimental.pallas import tpu_sc as plsc

B = 16384
F = 26
FIELD = 10000
NC = 2
NS = 16
LANES = 16
HALF = B // NC
FPT = 2
ACT = F // FPT
ROWS_OUT = HALF // NS
NCH = 2
CHUNK = HALF // NCH
TPC = NS // NCH

_mesh = plsc.VectorSubcoreMesh(
    core_axis_name="c", subcore_axis_name="s", num_cores=NC, num_subcores=NS
)


@functools.partial(
    pl.kernel,
    out_type=jax.ShapeDtypeStruct((B,), jnp.float32),
    mesh=_mesh,
    compiler_params=pltpu.CompilerParams(needs_layout_passes=False),
    scratch_types=[
        pltpu.VMEM((FPT * FIELD,), jnp.float32),
        pltpu.VMEM((1, HALF), jnp.int32),
        pltpu.VMEM((1, HALF), jnp.int32),
        pltpu.VMEM((HALF,), jnp.float32),
        pltpu.VMEM((ACT * ROWS_OUT,), jnp.float32),
        pltpu.VMEM((ROWS_OUT,), jnp.float32),
        pltpu.VMEM((LANES,), jnp.float32),
        pltpu.VMEM_SHARED((NS * ACT * ROWS_OUT,), jnp.float32),
        pltpu.SemaphoreType.DMA,
        pltpu.SemaphoreType.DMA,
        pltpu.SemaphoreType.DMA((NCH,)),
        pltpu.SemaphoreType.DMA((NCH,)),
        pltpu.SemaphoreType.DMA,
        pltpu.SemaphoreType.DMA,
        pltpu.SemaphoreType.DMA,
    ],
)
def _lr_kernel(
    xt_hbm, tbl_hbm, bias_hbm, out_hbm,
    tbl_v, xc0_v, xc1_v, acc_v, part_v, outb_v, bias_v, shared,
    sem_t, sem_t2, sem_x, sem_x2, sem_p, sem_r, sem_b,
):
    c = lax.axis_index("c")
    s = lax.axis_index("s")
    base_b = pl.multiple_of(c * HALF, HALF)
    cp_b = pltpu.async_copy(bias_hbm, bias_v.at[pl.ds(0, 1)], sem_b)

    @pl.when(s < ACT)
    def _gather_phase():
        f0 = 2 * s
        tstart = pl.multiple_of(f0 * FIELD, 2 * FIELD)
        cp_t0 = pltpu.async_copy(
            tbl_hbm.at[pl.ds(tstart, FIELD)], tbl_v.at[pl.ds(0, FIELD)], sem_t
        )
        cpx0 = []
        for ch in range(NCH):
            lo = ch * CHUNK
            cpx0.append(
                pltpu.async_copy(
                    xt_hbm.at[pl.ds(f0, 1), pl.ds(base_b + lo, CHUNK)],
                    xc0_v.at[:, pl.ds(lo, CHUNK)],
                    sem_x.at[ch],
                )
            )
        cp_t1 = pltpu.async_copy(
            tbl_hbm.at[pl.ds(tstart + FIELD, FIELD)],
            tbl_v.at[pl.ds(FIELD, FIELD)],
            sem_t2,
        )
        cpx1 = []
        for ch in range(NCH):
            lo = ch * CHUNK
            cpx1.append(
                pltpu.async_copy(
                    xt_hbm.at[pl.ds(f0 + 1, 1), pl.ds(base_b + lo, CHUNK)],
                    xc1_v.at[:, pl.ds(lo, CHUNK)],
                    sem_x2.at[ch],
                )
            )
        cp_t0.wait()
        for ch in range(NCH):
            lo = ch * CHUNK
            cpx0[ch].wait()

            @plsc.parallel_loop(lo, lo + CHUNK, LANES, unroll=4)
            def _gather0_loop(i):
                o = pl.multiple_of(i, LANES)
                i0 = xc0_v[0, pl.ds(o, LANES)]
                acc_v[pl.ds(o, LANES)] = plsc.load_gather(tbl_v, [i0])

        cp_t1.wait()
        pubs = []
        for ch in range(NCH):
            lo = ch * CHUNK
            cpx1[ch].wait()

            @plsc.parallel_loop(lo, lo + CHUNK, LANES, unroll=4)
            def _gather1_loop(i):
                o = pl.multiple_of(i, LANES)
                i1 = xc1_v[0, pl.ds(o, LANES)] + FIELD
                acc_v[pl.ds(o, LANES)] = acc_v[pl.ds(o, LANES)] + plsc.load_gather(
                    tbl_v, [i1]
                )

            for k in range(TPC):
                t_out = ch * TPC + k
                dst = pl.multiple_of((t_out * ACT + s) * ROWS_OUT, ROWS_OUT)
                pubs.append(
                    pltpu.async_copy(
                        acc_v.at[pl.ds(t_out * ROWS_OUT, ROWS_OUT)],
                        shared.at[pl.ds(dst, ROWS_OUT)],
                        sem_p,
                    )
                )
        for cp in pubs:
            cp.wait()

    plsc.subcore_barrier()

    src = pl.multiple_of(s * ACT * ROWS_OUT, ROWS_OUT)
    pltpu.async_copy(shared.at[pl.ds(src, ACT * ROWS_OUT)], part_v, sem_r).wait()
    cp_b.wait()
    bv = bias_v[...]
    bias_vec = lax.broadcast_in_dim(
        jnp.sum(jnp.where(lax.iota(jnp.int32, LANES) == 0, bv, 0.0)), (LANES,), ()
    )

    @plsc.parallel_loop(0, ROWS_OUT, LANES, unroll=1)
    def _reduce_loop(k):
        o = pl.multiple_of(k, LANES)
        a = part_v[pl.ds(o, LANES)]
        for j in range(1, ACT):
            a = a + part_v[pl.ds(j * ROWS_OUT + o, LANES)]
        z = a + bias_vec
        outb_v[pl.ds(o, LANES)] = 1.0 / (1.0 + jnp.exp(-z))

    off = pl.multiple_of(s * ROWS_OUT, ROWS_OUT)
    pltpu.sync_copy(outb_v, out_hbm.at[pl.ds(base_b + off, ROWS_OUT)])


def kernel(x, table, bias):
    xt = jnp.transpose(x.astype(jnp.int32))
    tbl = table.reshape(-1)
    out = _lr_kernel(xt, tbl, bias.astype(jnp.float32))
    return out.reshape(B, 1)

# --- scband reference (transcript-rebuilt; emitter-appended) ---
"""Pipeline reference for scband-logistic-regression-58377195487412 (READ-ONLY COPY).

The authoritative reference and input builder live on the scoring server;
editing this copy changes nothing except your own understanding.
"""

import jax, jax.numpy as jnp
import numpy as np

FEATURE_FIELDS = [10000] * 26
INPUT_DIMS = sum(FEATURE_FIELDS) + 1  # 260001
OFFSETS = jnp.asarray(np.array((0, *np.cumsum(FEATURE_FIELDS)[:-1]), dtype=np.int64))


def setup_inputs(seed: int = 0) -> dict:
    key = jax.random.key(seed)
    k1, k2, k3 = jax.random.split(key, 3)
    x = jax.random.randint(k1, (16384, 26), 0, 10000, dtype=jnp.int64)
    table = jax.random.normal(k2, (INPUT_DIMS, 1), dtype=jnp.float32) * 0.01
    bias = jax.random.normal(k3, (1,), dtype=jnp.float32) * 0.01
    return {"x": x, "table": table, "bias": bias}


def reference(x, table, bias):
    # x: int64[B, F]; add per-field offsets so indices address the flat table
    idx = x + OFFSETS[None, :]
    emb = jnp.take(table, idx, axis=0)           # [B, F, 1]
    logits = jnp.sum(emb, axis=1) + bias          # [B, 1]
    out = jax.nn.sigmoid(logits)
    return out

if __name__ == "__main__":
    import jax
    _d = setup_inputs()
    print(jax.jit(kernel)(*tuple(_d.values())))

</pallas_src>

<mosaic_0001>
#map = affine_map<(d0, d1) -> (0, 0)>
#map1 = affine_map<(d0, d1) -> (0)>
module attributes {stable_mosaic.version = 14 : i64} {
  func.func @_lr_kernel(%arg0: i32, %arg1: i32, %arg2: memref<26x16384xi32, #tpu.memory_space<hbm>>, %arg3: memref<260001xf32, #tpu.memory_space<hbm>>, %arg4: memref<1xf32, #tpu.memory_space<hbm>>, %arg5: memref<16384xf32, #tpu.memory_space<hbm>>, %arg6: memref<20000xf32, #tpu.memory_space<vmem>>, %arg7: memref<1x8192xi32, #tpu.memory_space<vmem>>, %arg8: memref<1x8192xi32, #tpu.memory_space<vmem>>, %arg9: memref<8192xf32, #tpu.memory_space<vmem>>, %arg10: memref<6656xf32, #tpu.memory_space<vmem>>, %arg11: memref<512xf32, #tpu.memory_space<vmem>>, %arg12: memref<16xf32, #tpu.memory_space<vmem>>, %arg13: memref<106496xf32, #tpu.memory_space<vmem_shared>>, %arg14: memref<!tpu.dma_semaphore, #tpu.memory_space<semaphore_mem>>, %arg15: memref<!tpu.dma_semaphore, #tpu.memory_space<semaphore_mem>>, %arg16: memref<2x!tpu.dma_semaphore, #tpu.memory_space<semaphore_mem>>, %arg17: memref<2x!tpu.dma_semaphore, #tpu.memory_space<semaphore_mem>>, %arg18: memref<!tpu.dma_semaphore, #tpu.memory_space<semaphore_mem>>, %arg19: memref<!tpu.dma_semaphore, #tpu.memory_space<semaphore_mem>>, %arg20: memref<!tpu.dma_semaphore, #tpu.memory_space<semaphore_mem>>) attributes {dimension_semantics = [#tpu.dimension_semantics<core_parallel>, #tpu.dimension_semantics<subcore_parallel>], iteration_bounds = array<i64: 2, 16>, scalar_prefetch = 0 : i64, scratch_operands = 15 : i64, tpu.core_type = #tpu.core_type<sc_vector_subcore>, window_params = [{transform_indices = #map}, {transform_indices = #map1}, {transform_indices = #map1}, {transform_indices = #map1}]} {
    %mul3A = arith.constant 8192 : i32
    %mul3A_0 = arith.muli %arg0, %mul3A : i32
    %multiple_of3A = tpu.assume_multiple %mul3A_0, 8192 : i32
    %dma_start3A = arith.constant 0 : i32
    %dma_start3A_1 = tpu.memref_slice %arg12[%dma_start3A] : memref<16xf32, #tpu.memory_space<vmem>> -> memref<1xf32, #tpu.memory_space<vmem>>
    %dma_start3A_2 = arith.constant 0 : i32
    %dma_start3A_3 = tpu.memref_slice %arg12[%dma_start3A_2] : memref<16xf32, #tpu.memory_space<vmem>> -> memref<1xf32, #tpu.memory_space<vmem>>
    tpu.enqueue_dma source(%arg4 : memref<1xf32, #tpu.memory_space<hbm>>) target(%dma_start3A_3 : memref<1xf32, #tpu.memory_space<vmem>>) target_semaphore(%arg20 : memref<!tpu.dma_semaphore, #tpu.memory_space<semaphore_mem>>)
    %lt3A = arith.constant 13 : i32
    %lt3A_4 = arith.cmpi slt, %arg1, %lt3A : i32
    %convert_element_type3A = arith.extui %lt3A_4 : i1 to i32
    %cond3A = arith.constant 0 : i32
    %cond3A_5 = arith.cmpi ne, %convert_element_type3A, %cond3A : i32
    scf.if %cond3A_5 {
      %mul3A_30 = arith.constant 2 : i32
      %mul3A_31 = arith.muli %mul3A_30, %arg1 : i32
      %mul3A_32 = arith.constant 10000 : i32
      %mul3A_33 = arith.muli %mul3A_31, %mul3A_32 : i32
      %multiple_of3A_34 = tpu.assume_multiple %mul3A_33, 20000 : i32
      %dma_start3A_35 = arith.constant 0 : i32
      %dma_start3A_36 = tpu.memref_slice %arg6[%dma_start3A_35] : memref<20000xf32, #tpu.memory_space<vmem>> -> memref<10000xf32, #tpu.memory_space<vmem>>
      %dma_start3A_37 = tpu.memref_slice %arg3[%multiple_of3A_34] : memref<260001xf32, #tpu.memory_space<hbm>> -> memref<10000xf32, #tpu.memory_space<hbm>>
      %dma_start3A_38 = arith.constant 0 : i32
      %dma_start3A_39 = tpu.memref_slice %arg6[%dma_start3A_38] : memref<20000xf32, #tpu.memory_space<vmem>> -> memref<10000xf32, #tpu.memory_space<vmem>>
      %dma_start3A_40 = tpu.memref_slice %arg3[%multiple_of3A_34] : memref<260001xf32, #tpu.memory_space<hbm>> -> memref<10000xf32, #tpu.memory_space<hbm>>
      tpu.enqueue_dma source(%dma_start3A_40 : memref<10000xf32, #tpu.memory_space<hbm>>) target(%dma_start3A_39 : memref<10000xf32, #tpu.memory_space<vmem>>) target_semaphore(%arg14 : memref<!tpu.dma_semaphore, #tpu.memory_space<semaphore_mem>>)
      %add3A_41 = arith.constant 0 : i32
      %add3A_42 = arith.addi %multiple_of3A, %add3A_41 : i32
      %dma_start3A_43 = arith.constant 0 : i32
      %dma_start3A_44 = arith.constant 0 : i32
      %dma_start3A_45 = arith.constant 0 : i32
      %dma_start3A_46 = tpu.memref_slice %arg7[%dma_start3A_44, %dma_start3A_45] : memref<1x8192xi32, #tpu.memory_space<vmem>> -> memref<1x4096xi32, #tpu.memory_space<vmem>>
      %dma_start3A_47 = tpu.memref_slice %arg2[%mul3A_31, %add3A_42] : memref<26x16384xi32, #tpu.memory_space<hbm>> -> memref<1x4096xi32, #tpu.memory_space<hbm>>
      %dma_start3A_48 = tpu.memref_slice %arg16[%dma_start3A_43] : memref<2x!tpu.dma_semaphore, #tpu.memory_space<semaphore_mem>> -> memref<1x!tpu.dma_semaphore, #tpu.memory_space<semaphore_mem>>
      %dma_start3A_49 = tpu.memref_squeeze %dma_start3A_48 : memref<1x!tpu.dma_semaphore, #tpu.memory_space<semaphore_mem>> -> memref<!tpu.dma_semaphore, #tpu.memory_space<semaphore_mem>>
      %dma_start3A_50 = arith.constant 0 : i32
      %dma_start3A_51 = arith.constant 0 : i32
      %dma_start3A_52 = tpu.memref_slice %arg7[%dma_start3A_50, %dma_start3A_51] : memref<1x8192xi32, #tpu.memory_space<vmem>> -> memref<1x4096xi32, #tpu.memory_space<vmem>>
      %dma_start3A_53 = tpu.memref_slice %arg2[%mul3A_31, %add3A_42] : memref<26x16384xi32, #tpu.memory_space<hbm>> -> memref<1x4096xi32, #tpu.memory_space<hbm>>
      tpu.enqueue_dma source(%dma_start3A_53 : memref<1x4096xi32, #tpu.memory_space<hbm>>) target(%dma_start3A_52 : memref<1x4096xi32, #tpu.memory_space<vmem>>) target_semaphore(%dma_start3A_49 : memref<!tpu.dma_semaphore, #tpu.memory_space<semaphore_mem>>)
      %add3A_54 = arith.constant 4096 : i32
      %add3A_55 = arith.addi %multiple_of3A, %add3A_54 : i32
      %dma_start3A_56 = arith.constant 1 : i32
      %dma_start3A_57 = arith.constant 0 : i32
      %dma_start3A_58 = arith.constant 4096 : i32
      %dma_start3A_59 = tpu.memref_slice %arg7[%dma_start3A_57, %dma_start3A_58] : memref<1x8192xi32, #tpu.memory_space<vmem>> -> memref<1x4096xi32, #tpu.memory_space<vmem>>
      %dma_start3A_60 = tpu.memref_slice %arg2[%mul3A_31, %add3A_55] : memref<26x16384xi32, #tpu.memory_space<hbm>> -> memref<1x4096xi32, #tpu.memory_space<hbm>>
      %dma_start3A_61 = tpu.memref_slice %arg16[%dma_start3A_56] : memref<2x!tpu.dma_semaphore, #tpu.memory_space<semaphore_mem>> -> memref<1x!tpu.dma_semaphore, #tpu.memory_space<semaphore_mem>>
      %dma_start3A_62 = tpu.memref_squeeze %dma_start3A_61 : memref<1x!tpu.dma_semaphore, #tpu.memory_space<semaphore_mem>> -> memref<!tpu.dma_semaphore, #tpu.memory_space<semaphore_mem>>
      %dma_start3A_63 = arith.constant 0 : i32
      %dma_start3A_64 = arith.constant 4096 : i32
      %dma_start3A_65 = tpu.memref_slice %arg7[%dma_start3A_63, %dma_start3A_64] : memref<1x8192xi32, #tpu.memory_space<vmem>> -> memref<1x4096xi32, #tpu.memory_space<vmem>>
      %dma_start3A_66 = tpu.memref_slice %arg2[%mul3A_31, %add3A_55] : memref<26x16384xi32, #tpu.memory_space<hbm>> -> memref<1x4096xi32, #tpu.memory_space<hbm>>
      tpu.enqueue_dma source(%dma_start3A_66 : memref<1x4096xi32, #tpu.memory_space<hbm>>) target(%dma_start3A_65 : memref<1x4096xi32, #tpu.memory_space<vmem>>) target_semaphore(%dma_start3A_62 : memref<!tpu.dma_semaphore, #tpu.memory_space<semaphore_mem>>)
      %add3A_67 = arith.constant 10000 : i32
      %add3A_68 = arith.addi %multiple_of3A_34, %add3A_67 : i32
      %dma_start3A_69 = arith.constant 10000 : i32
      %dma_start3A_70 = tpu.memref_slice %arg6[%dma_start3A_69] : memref<20000xf32, #tpu.memory_space<vmem>> -> memref<10000xf32, #tpu.memory_space<vmem>>
      %dma_start3A_71 = tpu.memref_slice %arg3[%add3A_68] : memref<260001xf32, #tpu.memory_space<hbm>> -> memref<10000xf32, #tpu.memory_space<hbm>>
      %dma_start3A_72 = arith.constant 10000 : i32
      %dma_start3A_73 = tpu.memref_slice %arg6[%dma_start3A_72] : memref<20000xf32, #tpu.memory_space<vmem>> -> memref<10000xf32, #tpu.memory_space<vmem>>
      %dma_start3A_74 = tpu.memref_slice %arg3[%add3A_68] : memref<260001xf32, #tpu.memory_space<hbm>> -> memref<10000xf32, #tpu.memory_space<hbm>>
      tpu.enqueue_dma source(%dma_start3A_74 : memref<10000xf32, #tpu.memory_space<hbm>>) target(%dma_start3A_73 : memref<10000xf32, #tpu.memory_space<vmem>>) target_semaphore(%arg15 : memref<!tpu.dma_semaphore, #tpu.memory_space<semaphore_mem>>)
      %add3A_75 = arith.constant 1 : i32
      %add3A_76 = arith.addi %mul3A_31, %add3A_75 : i32
      %add3A_77 = arith.constant 0 : i32
      %add3A_78 = arith.addi %multiple_of3A, %add3A_77 : i32
      %dma_start3A_79 = arith.constant 0 : i32
      %dma_start3A_80 = arith.constant 0 : i32
      %dma_start3A_81 = arith.constant 0 : i32
      %dma_start3A_82 = tpu.memref_slice %arg8[%dma_start3A_80, %dma_start3A_81] : memref<1x8192xi32, #tpu.memory_space<vmem>> -> memref<1x4096xi32, #tpu.memory_space<vmem>>
      %dma_start3A_83 = tpu.memref_slice %arg2[%add3A_76, %add3A_78] : memref<26x16384xi32, #tpu.memory_space<hbm>> -> memref<1x4096xi32, #tpu.memory_space<hbm>>
      %dma_start3A_84 = tpu.memref_slice %arg17[%dma_start3A_79] : memref<2x!tpu.dma_semaphore, #tpu.memory_space<semaphore_mem>> -> memref<1x!tpu.dma_semaphore, #tpu.memory_space<semaphore_mem>>
      %dma_start3A_85 = tpu.memref_squeeze %dma_start3A_84 : memref<1x!tpu.dma_semaphore, #tpu.memory_space<semaphore_mem>> -> memref<!tpu.dma_semaphore, #tpu.memory_space<semaphore_mem>>
      %dma_start3A_86 = arith.constant 0 : i32
      %dma_start3A_87 = arith.constant 0 : i32
      %dma_start3A_88 = tpu.memref_slice %arg8[%dma_start3A_86, %dma_start3A_87] : memref<1x8192xi32, #tpu.memory_space<vmem>> -> memref<1x4096xi32, #tpu.memory_space<vmem>>
      %dma_start3A_89 = tpu.memref_slice %arg2[%add3A_76, %add3A_78] : memref<26x16384xi32, #tpu.memory_space<hbm>> -> memref<1x4096xi32, #tpu.memory_space<hbm>>
      tpu.enqueue_dma source(%dma_start3A_89 : memref<1x4096xi32, #tpu.memory_space<hbm>>) target(%dma_start3A_88 : memref<1x4096xi32, #tpu.memory_space<vmem>>) target_semaphore(%dma_start3A_85 : memref<!tpu.dma_semaphore, #tpu.memory_space<semaphore_mem>>)
      %add3A_90 = arith.constant 1 : i32
      %add3A_91 = arith.addi %mul3A_31, %add3A_90 : i32
      %add3A_92 = arith.constant 4096 : i32
      %add3A_93 = arith.addi %multiple_of3A, %add3A_92 : i32
      %dma_start3A_94 = arith.constant 1 : i32
      %dma_start3A_95 = arith.constant 0 : i32
      %dma_start3A_96 = arith.constant 4096 : i32
      %dma_start3A_97 = tpu.memref_slice %arg8[%dma_start3A_95, %dma_start3A_96] : memref<1x8192xi32, #tpu.memory_space<vmem>> -> memref<1x4096xi32, #tpu.memory_space<vmem>>
      %dma_start3A_98 = tpu.memref_slice %arg2[%add3A_91, %add3A_93] : memref<26x16384xi32, #tpu.memory_space<hbm>> -> memref<1x4096xi32, #tpu.memory_space<hbm>>
      %dma_start3A_99 = tpu.memref_slice %arg17[%dma_start3A_94] : memref<2x!tpu.dma_semaphore, #tpu.memory_space<semaphore_mem>> -> memref<1x!tpu.dma_semaphore, #tpu.memory_space<semaphore_mem>>
      %dma_start3A_100 = tpu.memref_squeeze %dma_start3A_99 : memref<1x!tpu.dma_semaphore, #tpu.memory_space<semaphore_mem>> -> memref<!tpu.dma_semaphore, #tpu.memory_space<semaphore_mem>>
      %dma_start3A_101 = arith.constant 0 : i32
      %dma_start3A_102 = arith.constant 4096 : i32
      %dma_start3A_103 = tpu.memref_slice %arg8[%dma_start3A_101, %dma_start3A_102] : memref<1x8192xi32, #tpu.memory_space<vmem>> -> memref<1x4096xi32, #tpu.memory_space<vmem>>
      %dma_start3A_104 = tpu.memref_slice %arg2[%add3A_91, %add3A_93] : memref<26x16384xi32, #tpu.memory_space<hbm>> -> memref<1x4096xi32, #tpu.memory_space<hbm>>
      tpu.enqueue_dma source(%dma_start3A_104 : memref<1x4096xi32, #tpu.memory_space<hbm>>) target(%dma_start3A_103 : memref<1x4096xi32, #tpu.memory_space<vmem>>) target_semaphore(%dma_start3A_100 : memref<!tpu.dma_semaphore, #tpu.memory_space<semaphore_mem>>)
      %dma_wait3A_105 = arith.constant 0 : i32
      %dma_wait3A_106 = tpu.memref_slice %arg6[%dma_wait3A_105] : memref<20000xf32, #tpu.memory_space<vmem>> -> memref<10000xf32, #tpu.memory_space<vmem>>
      %dma_wait3A_107 = tpu.memref_slice %arg3[%multiple_of3A_34] : memref<260001xf32, #tpu.memory_space<hbm>> -> memref<10000xf32, #tpu.memory_space<hbm>>
      %dma_wait3A_108 = arith.constant 0 : i32
      %dma_wait3A_109 = tpu.memref_slice %arg6[%dma_wait3A_108] : memref<20000xf32, #tpu.memory_space<vmem>> -> memref<10000xf32, #tpu.memory_space<vmem>>
      %dma_wait3A_110 = tpu.memref_slice %arg3[%multiple_of3A_34] : memref<260001xf32, #tpu.memory_space<hbm>> -> memref<10000xf32, #tpu.memory_space<hbm>>
      tpu.wait_dma2 semaphore(%arg14 : memref<!tpu.dma_semaphore, #tpu.memory_space<semaphore_mem>>) src(%dma_wait3A_110 : memref<10000xf32, #tpu.memory_space<hbm>>) dst(%dma_wait3A_109 : memref<10000xf32, #tpu.memory_space<vmem>>)
      %dma_wait3A_111 = arith.constant 0 : i32
      %dma_wait3A_112 = arith.constant 0 : i32
      %dma_wait3A_113 = arith.constant 0 : i32
      %dma_wait3A_114 = tpu.memref_slice %arg7[%dma_wait3A_112, %dma_wait3A_113] : memref<1x8192xi32, #tpu.memory_space<vmem>> -> memref<1x4096xi32, #tpu.memory_space<vmem>>
      %dma_wait3A_115 = tpu.memref_slice %arg2[%mul3A_31, %add3A_42] : memref<26x16384xi32, #tpu.memory_space<hbm>> -> memref<1x4096xi32, #tpu.memory_space<hbm>>
      %dma_wait3A_116 = tpu.memref_slice %arg16[%dma_wait3A_111] : memref<2x!tpu.dma_semaphore, #tpu.memory_space<semaphore_mem>> -> memref<1x!tpu.dma_semaphore, #tpu.memory_space<semaphore_mem>>
      %dma_wait3A_117 = tpu.memref_squeeze %dma_wait3A_116 : memref<1x!tpu.dma_semaphore, #tpu.memory_space<semaphore_mem>> -> memref<!tpu.dma_semaphore, #tpu.memory_space<semaphore_mem>>
      %dma_wait3A_118 = arith.constant 0 : i32
      %dma_wait3A_119 = arith.constant 0 : i32
      %dma_wait3A_120 = tpu.memref_slice %arg7[%dma_wait3A_118, %dma_wait3A_119] : memref<1x8192xi32, #tpu.memory_space<vmem>> -> memref<1x4096xi32, #tpu.memory_space<vmem>>
      %dma_wait3A_121 = tpu.memref_slice %arg2[%mul3A_31, %add3A_42] : memref<26x16384xi32, #tpu.memory_space<hbm>> -> memref<1x4096xi32, #tpu.memory_space<hbm>>
      tpu.wait_dma2 semaphore(%dma_wait3A_117 : memref<!tpu.dma_semaphore, #tpu.memory_space<semaphore_mem>>) src(%dma_wait3A_121 : memref<1x4096xi32, #tpu.memory_space<hbm>>) dst(%dma_wait3A_120 : memref<1x4096xi32, #tpu.memory_space<vmem>>)
      %parallel_loop3A_122 = arith.constant 0 : i32
      %parallel_loop3A_123 = arith.constant 4096 : i32
      %parallel_loop3A_124 = arith.constant 16 : i32
      scf.for %parallel_loop3A_445 = %parallel_loop3A_122 to %parallel_loop3A_123 step %parallel_loop3A_124  : i32 {
        %parallel_loop3A_446 = tpu.assume_multiple %parallel_loop3A_445, 16 : i32
        %parallel_loop3A_447 = arith.constant 0 : i32
        %parallel_loop3A_448 = arith.index_cast %parallel_loop3A_447 : i32 to index
        %parallel_loop3A_449 = arith.index_cast %parallel_loop3A_446 : i32 to index
        %parallel_loop3A_450 = tpu.vector_load %arg7[%parallel_loop3A_448, %parallel_loop3A_449] {strides = array<i32>} : memref<1x8192xi32, #tpu.memory_space<vmem>>, vector<16xi32>,
        %parallel_loop3A_451 = tpu.vector_load_idx %arg6[%parallel_loop3A_450] : memref<20000xf32, #tpu.memory_space<vmem>>[vector<16xi32>], vector<16xf32>,
        %parallel_loop3A_452 = arith.index_cast %parallel_loop3A_446 : i32 to index
        %parallel_loop3A_453 = tpu.vector_load %arg9[%parallel_loop3A_452] {strides = array<i32>} : memref<8192xf32, #tpu.memory_space<vmem>>, vector<16xf32>,
        tpu.vector_store %arg9[%parallel_loop3A_452], %parallel_loop3A_451 {strides = array<i32>} : memref<8192xf32, #tpu.memory_space<vmem>>, vector<16xf32>,
      } {sc.loop_unroll_factor = 4 : i64, sc.parallel_access}
      %dma_wait3A_125 = arith.constant 1 : i32
      %dma_wait3A_126 = arith.constant 0 : i32
      %dma_wait3A_127 = arith.constant 4096 : i32
      %dma_wait3A_128 = tpu.memref_slice %arg7[%dma_wait3A_126, %dma_wait3A_127] : memref<1x8192xi32, #tpu.memory_space<vmem>> -> memref<1x4096xi32, #tpu.memory_space<vmem>>
      %dma_wait3A_129 = tpu.memref_slice %arg2[%mul3A_31, %add3A_55] : memref<26x16384xi32, #tpu.memory_space<hbm>> -> memref<1x4096xi32, #tpu.memory_space<hbm>>
      %dma_wait3A_130 = tpu.memref_slice %arg16[%dma_wait3A_125] : memref<2x!tpu.dma_semaphore, #tpu.memory_space<semaphore_mem>> -> memref<1x!tpu.dma_semaphore, #tpu.memory_space<semaphore_mem>>
      %dma_wait3A_131 = tpu.memref_squeeze %dma_wait3A_130 : memref<1x!tpu.dma_semaphore, #tpu.memory_space<semaphore_mem>> -> memref<!tpu.dma_semaphore, #tpu.memory_space<semaphore_mem>>
      %dma_wait3A_132 = arith.constant 0 : i32
      %dma_wait3A_133 = arith.constant 4096 : i32
      %dma_wait3A_134 = tpu.memref_slice %arg7[%dma_wait3A_132, %dma_wait3A_133] : memref<1x8192xi32, #tpu.memory_space<vmem>> -> memref<1x4096xi32, #tpu.memory_space<vmem>>
      %dma_wait3A_135 = tpu.memref_slice %arg2[%mul3A_31, %add3A_55] : memref<26x16384xi32, #tpu.memory_space<hbm>> -> memref<1x4096xi32, #tpu.memory_space<hbm>>
      tpu.wait_dma2 semaphore(%dma_wait3A_131 : memref<!tpu.dma_semaphore, #tpu.memory_space<semaphore_mem>>) src(%dma_wait3A_135 : memref<1x4096xi32, #tpu.memory_space<hbm>>) dst(%dma_wait3A_134 : memref<1x4096xi32, #tpu.memory_space<vmem>>)
      %parallel_loop3A_136 = arith.constant 4096 : i32
      %parallel_loop3A_137 = arith.constant 8192 : i32
      %parallel_loop3A_138 = arith.constant 16 : i32
      scf.for %parallel_loop3A_445 = %parallel_loop3A_136 to %parallel_loop3A_137 step %parallel_loop3A_138  : i32 {
        %parallel_loop3A_446 = tpu.assume_multiple %parallel_loop3A_445, 16 : i32
        %parallel_loop3A_447 = arith.constant 0 : i32
        %parallel_loop3A_448 = arith.index_cast %parallel_loop3A_447 : i32 to index
        %parallel_loop3A_449 = arith.index_cast %parallel_loop3A_446 : i32 to index
        %parallel_loop3A_450 = tpu.vector_load %arg7[%parallel_loop3A_448, %parallel_loop3A_449] {strides = array<i32>} : memref<1x8192xi32, #tpu.memory_space<vmem>>, vector<16xi32>,
        %parallel_loop3A_451 = tpu.vector_load_idx %arg6[%parallel_loop3A_450] : memref<20000xf32, #tpu.memory_space<vmem>>[vector<16xi32>], vector<16xf32>,
        %parallel_loop3A_452 = arith.index_cast %parallel_loop3A_446 : i32 to index
        %parallel_loop3A_453 = tpu.vector_load %arg9[%parallel_loop3A_452] {strides = array<i32>} : memref<8192xf32, #tpu.memory_space<vmem>>, vector<16xf32>,
        tpu.vector_store %arg9[%parallel_loop3A_452], %parallel_loop3A_451 {strides = array<i32>} : memref<8192xf32, #tpu.memory_space<vmem>>, vector<16xf32>,
      } {sc.loop_unroll_factor = 4 : i64, sc.parallel_access}
      %dma_wait3A_139 = arith.constant 10000 : i32
      %dma_wait3A_140 = tpu.memref_slice %arg6[%dma_wait3A_139] : memref<20000xf32, #tpu.memory_space<vmem>> -> memref<10000xf32, #tpu.memory_space<vmem>>
      %dma_wait3A_141 = tpu.memref_slice %arg3[%add3A_68] : memref<260001xf32, #tpu.memory_space<hbm>> -> memref<10000xf32, #tpu.memory_space<hbm>>
      %dma_wait3A_142 = arith.constant 10000 : i32
      %dma_wait3A_143 = tpu.memref_slice %arg6[%dma_wait3A_142] : memref<20000xf32, #tpu.memory_space<vmem>> -> memref<10000xf32, #tpu.memory_space<vmem>>
      %dma_wait3A_144 = tpu.memref_slice %arg3[%add3A_68] : memref<260001xf32, #tpu.memory_space<hbm>> -> memref<10000xf32, #tpu.memory_space<hbm>>
      tpu.wait_dma2 semaphore(%arg15 : memref<!tpu.dma_semaphore, #tpu.memory_space<semaphore_mem>>) src(%dma_wait3A_144 : memref<10000xf32, #tpu.memory_space<hbm>>) dst(%dma_wait3A_143 : memref<10000xf32, #tpu.memory_space<vmem>>)
      %dma_wait3A_145 = arith.constant 0 : i32
      %dma_wait3A_146 = arith.constant 0 : i32
      %dma_wait3A_147 = arith.constant 0 : i32
      %dma_wait3A_148 = tpu.memref_slice %arg8[%dma_wait3A_146, %dma_wait3A_147] : memref<1x8192xi32, #tpu.memory_space<vmem>> -> memref<1x4096xi32, #tpu.memory_space<vmem>>
      %dma_wait3A_149 = tpu.memref_slice %arg2[%add3A_76, %add3A_78] : memref<26x16384xi32, #tpu.memory_space<hbm>> -> memref<1x4096xi32, #tpu.memory_space<hbm>>
      %dma_wait3A_150 = tpu.memref_slice %arg17[%dma_wait3A_145] : memref<2x!tpu.dma_semaphore, #tpu.memory_space<semaphore_mem>> -> memref<1x!tpu.dma_semaphore, #tpu.memory_space<semaphore_mem>>
      %dma_wait3A_151 = tpu.memref_squeeze %dma_wait3A_150 : memref<1x!tpu.dma_semaphore, #tpu.memory_space<semaphore_mem>> -> memref<!tpu.dma_semaphore, #tpu.memory_space<semaphore_mem>>
      %dma_wait3A_152 = arith.constant 0 : i32
      %dma_wait3A_153 = arith.constant 0 : i32
      %dma_wait3A_154 = tpu.memref_slice %arg8[%dma_wait3A_152, %dma_wait3A_153] : memref<1x8192xi32, #tpu.memory_space<vmem>> -> memref<1x4096xi32, #tpu.memory_space<vmem>>
      %dma_wait3A_155 = tpu.memref_slice %arg2[%add3A_76, %add3A_78] : memref<26x16384xi32, #tpu.memory_space<hbm>> -> memref<1x4096xi32, #tpu.memory_space<hbm>>
      tpu.wait_dma2 semaphore(%dma_wait3A_151 : memref<!tpu.dma_semaphore, #tpu.memory_space<semaphore_mem>>) src(%dma_wait3A_155 : memref<1x4096xi32, #tpu.memory_space<hbm>>) dst(%dma_wait3A_154 : memref<1x4096xi32, #tpu.memory_space<vmem>>)
      %parallel_loop3A_156 = arith.constant 0 : i32
      %parallel_loop3A_157 = arith.constant 4096 : i32
      %parallel_loop3A_158 = arith.constant 16 : i32
      scf.for %parallel_loop3A_445 = %parallel_loop3A_156 to %parallel_loop3A_157 step %parallel_loop3A_158  : i32 {
        %parallel_loop3A_446 = tpu.assume_multiple %parallel_loop3A_445, 16 : i32
        %parallel_loop3A_447 = arith.constant 0 : i32
        %parallel_loop3A_448 = arith.index_cast %parallel_loop3A_447 : i32 to index
        %parallel_loop3A_449 = arith.index_cast %parallel_loop3A_446 : i32 to index
        %parallel_loop3A_450 = tpu.vector_load %arg8[%parallel_loop3A_448, %parallel_loop3A_449] {strides = array<i32>} : memref<1x8192xi32, #tpu.memory_space<vmem>>, vector<16xi32>,
        %parallel_loop3A_451 = arith.constant 10000 : i32
        %parallel_loop3A_452 = vector.broadcast %parallel_loop3A_451 : i32 to vector<16xi32>
        %parallel_loop3A_453 = arith.addi %parallel_loop3A_450, %parallel_loop3A_452 : vector<16xi32>
        %parallel_loop3A_454 = arith.index_cast %parallel_loop3A_446 : i32 to index
        %parallel_loop3A_455 = tpu.vector_load %arg9[%parallel_loop3A_454] {strides = array<i32>} : memref<8192xf32, #tpu.memory_space<vmem>>, vector<16xf32>,
        %parallel_loop3A_456 = tpu.vector_load_idx %arg6[%parallel_loop3A_453] : memref<20000xf32, #tpu.memory_space<vmem>>[vector<16xi32>], vector<16xf32>,
        %parallel_loop3A_457 = arith.addf %parallel_loop3A_455, %parallel_loop3A_456 : vector<16xf32>
        %parallel_loop3A_458 = arith.index_cast %parallel_loop3A_446 : i32 to index
        %parallel_loop3A_459 = tpu.vector_load %arg9[%parallel_loop3A_458] {strides = array<i32>} : memref<8192xf32, #tpu.memory_space<vmem>>, vector<16xf32>,
        tpu.vector_store %arg9[%parallel_loop3A_458], %parallel_loop3A_457 {strides = array<i32>} : memref<8192xf32, #tpu.memory_space<vmem>>, vector<16xf32>,
      } {sc.loop_unroll_factor = 4 : i64, sc.parallel_access}
      %add3A_159 = arith.constant 0 : i32
      %add3A_160 = arith.addi %add3A_159, %arg1 : i32
      %mul3A_161 = arith.constant 512 : i32
      %mul3A_162 = arith.muli %add3A_160, %mul3A_161 : i32
      %multiple_of3A_163 = tpu.assume_multiple %mul3A_162, 512 : i32
      %dma_start3A_164 = arith.constant 0 : i32
      %dma_start3A_165 = tpu.memref_slice %arg9[%dma_start3A_164] : memref<8192xf32, #tpu.memory_space<vmem>> -> memref<512xf32, #tpu.memory_space<vmem>>
      %dma_start3A_166 = tpu.memref_slice %arg13[%multiple_of3A_163] : memref<106496xf32, #tpu.memory_space<vmem_shared>> -> memref<512xf32, #tpu.memory_space<vmem_shared>>
      %dma_start3A_167 = tpu.memref_slice %arg13[%multiple_of3A_163] : memref<106496xf32, #tpu.memory_space<vmem_shared>> -> memref<512xf32, #tpu.memory_space<vmem_shared>>
      %dma_start3A_168 = arith.constant 0 : i32
      %dma_start3A_169 = tpu.memref_slice %arg9[%dma_start3A_168] : memref<8192xf32, #tpu.memory_space<vmem>> -> memref<512xf32, #tpu.memory_space<vmem>>
      tpu.enqueue_dma source(%dma_start3A_169 : memref<512xf32, #tpu.memory_space<vmem>>) target(%dma_start3A_167 : memref<512xf32, #tpu.memory_space<vmem_shared>>) target_semaphore(%arg18 : memref<!tpu.dma_semaphore, #tpu.memory_space<semaphore_mem>>)
      %add3A_170 = arith.constant 13 : i32
      %add3A_171 = arith.addi %add3A_170, %arg1 : i32
      %mul3A_172 = arith.constant 512 : i32
      %mul3A_173 = arith.muli %add3A_171, %mul3A_172 : i32
      %multiple_of3A_174 = tpu.assume_multiple %mul3A_173, 512 : i32
      %dma_start3A_175 = arith.constant 512 : i32
      %dma_start3A_176 = tpu.memref_slice %arg9[%dma_start3A_175] : memref<8192xf32, #tpu.memory_space<vmem>> -> memref<512xf32, #tpu.memory_space<vmem>>
      %dma_start3A_177 = tpu.memref_slice %arg13[%multiple_of3A_174] : memref<106496xf32, #tpu.memory_space<vmem_shared>> -> memref<512xf32, #tpu.memory_space<vmem_shared>>
      %dma_start3A_178 = tpu.memref_slice %arg13[%multiple_of3A_174] : memref<106496xf32, #tpu.memory_space<vmem_shared>> -> memref<512xf32, #tpu.memory_space<vmem_shared>>
      %dma_start3A_179 = arith.constant 512 : i32
      %dma_start3A_180 = tpu.memref_slice %arg9[%dma_start3A_179] : memref<8192xf32, #tpu.memory_space<vmem>> -> memref<512xf32, #tpu.memory_space<vmem>>
      tpu.enqueue_dma source(%dma_start3A_180 : memref<512xf32, #tpu.memory_space<vmem>>) target(%dma_start3A_178 : memref<512xf32, #tpu.memory_space<vmem_shared>>) target_semaphore(%arg18 : memref<!tpu.dma_semaphore, #tpu.memory_space<semaphore_mem>>)
      %add3A_181 = arith.constant 26 : i32
      %add3A_182 = arith.addi %add3A_181, %arg1 : i32
      %mul3A_183 = arith.constant 512 : i32
      %mul3A_184 = arith.muli %add3A_182, %mul3A_183 : i32
      %multiple_of3A_185 = tpu.assume_multiple %mul3A_184, 512 : i32
      %dma_start3A_186 = arith.constant 1024 : i32
      %dma_start3A_187 = tpu.memref_slice %arg9[%dma_start3A_186] : memref<8192xf32, #tpu.memory_space<vmem>> -> memref<512xf32, #tpu.memory_space<vmem>>
      %dma_start3A_188 = tpu.memref_slice %arg13[%multiple_of3A_185] : memref<106496xf32, #tpu.memory_space<vmem_shared>> -> memref<512xf32, #tpu.memory_space<vmem_shared>>
      %dma_start3A_189 = tpu.memref_slice %arg13[%multiple_of3A_185] : memref<106496xf32, #tpu.memory_space<vmem_shared>> -> memref<512xf32, #tpu.memory_space<vmem_shared>>
      %dma_start3A_190 = arith.constant 1024 : i32
      %dma_start3A_191 = tpu.memref_slice %arg9[%dma_start3A_190] : memref<8192xf32, #tpu.memory_space<vmem>> -> memref<512xf32, #tpu.memory_space<vmem>>
      tpu.enqueue_dma source(%dma_start3A_191 : memref<512xf32, #tpu.memory_space<vmem>>) target(%dma_start3A_189 : memref<512xf32, #tpu.memory_space<vmem_shared>>) target_semaphore(%arg18 : memref<!tpu.dma_semaphore, #tpu.memory_space<semaphore_mem>>)
      %add3A_192 = arith.constant 39 : i32
      %add3A_193 = arith.addi %add3A_192, %arg1 : i32
      %mul3A_194 = arith.constant 512 : i32
      %mul3A_195 = arith.muli %add3A_193, %mul3A_194 : i32
      %multiple_of3A_196 = tpu.assume_multiple %mul3A_195, 512 : i32
      %dma_start3A_197 = arith.constant 1536 : i32
      %dma_start3A_198 = tpu.memref_slice %arg9[%dma_start3A_197] : memref<8192xf32, #tpu.memory_space<vmem>> -> memref<512xf32, #tpu.memory_space<vmem>>
      %dma_start3A_199 = tpu.memref_slice %arg13[%multiple_of3A_196] : memref<106496xf32, #tpu.memory_space<vmem_shared>> -> memref<512xf32, #tpu.memory_space<vmem_shared>>
      %dma_start3A_200 = tpu.memref_slice %arg13[%multiple_of3A_196] : memref<106496xf32, #tpu.memory_space<vmem_shared>> -> memref<512xf32, #tpu.memory_space<vmem_shared>>
      %dma_start3A_201 = arith.constant 1536 : i32
      %dma_start3A_202 = tpu.memref_slice %arg9[%dma_start3A_201] : memref<8192xf32, #tpu.memory_space<vmem>> -> memref<512xf32, #tpu.memory_space<vmem>>
      tpu.enqueue_dma source(%dma_start3A_202 : memref<512xf32, #tpu.memory_space<vmem>>) target(%dma_start3A_200 : memref<512xf32, #tpu.memory_space<vmem_shared>>) target_semaphore(%arg18 : memref<!tpu.dma_semaphore, #tpu.memory_space<semaphore_mem>>)
      %add3A_203 = arith.constant 52 : i32
      %add3A_204 = arith.addi %add3A_203, %arg1 : i32
      %mul3A_205 = arith.constant 512 : i32
      %mul3A_206 = arith.muli %add3A_204, %mul3A_205 : i32
      %multiple_of3A_207 = tpu.assume_multiple %mul3A_206, 512 : i32
      %dma_start3A_208 = arith.constant 2048 : i32
      %dma_start3A_209 = tpu.memref_slice %arg9[%dma_start3A_208] : memref<8192xf32, #tpu.memory_space<vmem>> -> memref<512xf32, #tpu.memory_space<vmem>>
      %dma_start3A_210 = tpu.memref_slice %arg13[%multiple_of3A_207] : memref<106496xf32, #tpu.memory_space<vmem_shared>> -> memref<512xf32, #tpu.memory_space<vmem_shared>>
      %dma_start3A_211 = tpu.memref_slice %arg13[%multiple_of3A_207] : memref<106496xf32, #tpu.memory_space<vmem_shared>> -> memref<512xf32, #tpu.memory_space<vmem_shared>>
      %dma_start3A_212 = arith.constant 2048 : i32
      %dma_start3A_213 = tpu.memref_slice %arg9[%dma_start3A_212] : memref<8192xf32, #tpu.memory_space<vmem>> -> memref<512xf32, #tpu.memory_space<vmem>>
      tpu.enqueue_dma source(%dma_start3A_213 : memref<512xf32, #tpu.memory_space<vmem>>) target(%dma_start3A_211 : memref<512xf32, #tpu.memory_space<vmem_shared>>) target_semaphore(%arg18 : memref<!tpu.dma_semaphore, #tpu.memory_space<semaphore_mem>>)
      %add3A_214 = arith.constant 65 : i32
      %add3A_215 = arith.addi %add3A_214, %arg1 : i32
      %mul3A_216 = arith.constant 512 : i32
      %mul3A_217 = arith.muli %add3A_215, %mul3A_216 : i32
      %multiple_of3A_218 = tpu.assume_multiple %mul3A_217, 512 : i32
      %dma_start3A_219 = arith.constant 2560 : i32
      %dma_start3A_220 = tpu.memref_slice %arg9[%dma_start3A_219] : memref<8192xf32, #tpu.memory_space<vmem>> -> memref<512xf32, #tpu.memory_space<vmem>>
      %dma_start3A_221 = tpu.memref_slice %arg13[%multiple_of3A_218] : memref<106496xf32, #tpu.memory_space<vmem_shared>> -> memref<512xf32, #tpu.memory_space<vmem_shared>>
      %dma_start3A_222 = tpu.memref_slice %arg13[%multiple_of3A_218] : memref<106496xf32, #tpu.memory_space<vmem_shared>> -> memref<512xf32, #tpu.memory_space<vmem_shared>>
      %dma_start3A_223 = arith.constant 2560 : i32
      %dma_start3A_224 = tpu.memref_slice %arg9[%dma_start3A_223] : memref<8192xf32, #tpu.memory_space<vmem>> -> memref<512xf32, #tpu.memory_space<vmem>>
      tpu.enqueue_dma source(%dma_start3A_224 : memref<512xf32, #tpu.memory_space<vmem>>) target(%dma_start3A_222 : memref<512xf32, #tpu.memory_space<vmem_shared>>) target_semaphore(%arg18 : memref<!tpu.dma_semaphore, #tpu.memory_space<semaphore_mem>>)
      %add3A_225 = arith.constant 78 : i32
      %add3A_226 = arith.addi %add3A_225, %arg1 : i32
      %mul3A_227 = arith.constant 512 : i32
      %mul3A_228 = arith.muli %add3A_226, %mul3A_227 : i32
      %multiple_of3A_229 = tpu.assume_multiple %mul3A_228, 512 : i32
      %dma_start3A_230 = arith.constant 3072 : i32
      %dma_start3A_231 = tpu.memref_slice %arg9[%dma_start3A_230] : memref<8192xf32, #tpu.memory_space<vmem>> -> memref<512xf32, #tpu.memory_space<vmem>>
      %dma_start3A_232 = tpu.memref_slice %arg13[%multiple_of3A_229] : memref<106496xf32, #tpu.memory_space<vmem_shared>> -> memref<512xf32, #tpu.memory_space<vmem_shared>>
      %dma_start3A_233 = tpu.memref_slice %arg13[%multiple_of3A_229] : memref<106496xf32, #tpu.memory_space<vmem_shared>> -> memref<512xf32, #tpu.memory_space<vmem_shared>>
      %dma_start3A_234 = arith.constant 3072 : i32
      %dma_start3A_235 = tpu.memref_slice %arg9[%dma_start3A_234] : memref<8192xf32, #tpu.memory_space<vmem>> -> memref<512xf32, #tpu.memory_space<vmem>>
      tpu.enqueue_dma source(%dma_start3A_235 : memref<512xf32, #tpu.memory_space<vmem>>) target(%dma_start3A_233 : memref<512xf32, #tpu.memory_space<vmem_shared>>) target_semaphore(%arg18 : memref<!tpu.dma_semaphore, #tpu.memory_space<semaphore_mem>>)
      %add3A_236 = arith.constant 91 : i32
      %add3A_237 = arith.addi %add3A_236, %arg1 : i32
      %mul3A_238 = arith.constant 512 : i32
      %mul3A_239 = arith.muli %add3A_237, %mul3A_238 : i32
      %multiple_of3A_240 = tpu.assume_multiple %mul3A_239, 512 : i32
      %dma_start3A_241 = arith.constant 3584 : i32
      %dma_start3A_242 = tpu.memref_slice %arg9[%dma_start3A_241] : memref<8192xf32, #tpu.memory_space<vmem>> -> memref<512xf32, #tpu.memory_space<vmem>>
      %dma_start3A_243 = tpu.memref_slice %arg13[%multiple_of3A_240] : memref<106496xf32, #tpu.memory_space<vmem_shared>> -> memref<512xf32, #tpu.memory_space<vmem_shared>>
      %dma_start3A_244 = tpu.memref_slice %arg13[%multiple_of3A_240] : memref<106496xf32, #tpu.memory_space<vmem_shared>> -> memref<512xf32, #tpu.memory_space<vmem_shared>>
      %dma_start3A_245 = arith.constant 3584 : i32
      %dma_start3A_246 = tpu.memref_slice %arg9[%dma_start3A_245] : memref<8192xf32, #tpu.memory_space<vmem>> -> memref<512xf32, #tpu.memory_space<vmem>>
      tpu.enqueue_dma source(%dma_start3A_246 : memref<512xf32, #tpu.memory_space<vmem>>) target(%dma_start3A_244 : memref<512xf32, #tpu.memory_space<vmem_shared>>) target_semaphore(%arg18 : memref<!tpu.dma_semaphore, #tpu.memory_space<semaphore_mem>>)
      %dma_wait3A_247 = arith.constant 1 : i32
      %dma_wait3A_248 = arith.constant 0 : i32
      %dma_wait3A_249 = arith.constant 4096 : i32
      %dma_wait3A_250 = tpu.memref_slice %arg8[%dma_wait3A_248, %dma_wait3A_249] : memref<1x8192xi32, #tpu.memory_space<vmem>> -> memref<1x4096xi32, #tpu.memory_space<vmem>>
      %dma_wait3A_251 = tpu.memref_slice %arg2[%add3A_91, %add3A_93] : memref<26x16384xi32, #tpu.memory_space<hbm>> -> memref<1x4096xi32, #tpu.memory_space<hbm>>
      %dma_wait3A_252 = tpu.memref_slice %arg17[%dma_wait3A_247] : memref<2x!tpu.dma_semaphore, #tpu.memory_space<semaphore_mem>> -> memref<1x!tpu.dma_semaphore, #tpu.memory_space<semaphore_mem>>
      %dma_wait3A_253 = tpu.memref_squeeze %dma_wait3A_252 : memref<1x!tpu.dma_semaphore, #tpu.memory_space<semaphore_mem>> -> memref<!tpu.dma_semaphore, #tpu.memory_space<semaphore_mem>>
      %dma_wait3A_254 = arith.constant 0 : i32
      %dma_wait3A_255 = arith.constant 4096 : i32
      %dma_wait3A_256 = tpu.memref_slice %arg8[%dma_wait3A_254, %dma_wait3A_255] : memref<1x8192xi32, #tpu.memory_space<vmem>> -> memref<1x4096xi32, #tpu.memory_space<vmem>>
      %dma_wait3A_257 = tpu.memref_slice %arg2[%add3A_91, %add3A_93] : memref<26x16384xi32, #tpu.memory_space<hbm>> -> memref<1x4096xi32, #tpu.memory_space<hbm>>
      tpu.wait_dma2 semaphore(%dma_wait3A_253 : memref<!tpu.dma_semaphore, #tpu.memory_space<semaphore_mem>>) src(%dma_wait3A_257 : memref<1x4096xi32, #tpu.memory_space<hbm>>) dst(%dma_wait3A_256 : memref<1x4096xi32, #tpu.memory_space<vmem>>)
      %parallel_loop3A_258 = arith.constant 4096 : i32
      %parallel_loop3A_259 = arith.constant 8192 : i32
      %parallel_loop3A_260 = arith.constant 16 : i32
      scf.for %parallel_loop3A_445 = %parallel_loop3A_258 to %parallel_loop3A_259 step %parallel_loop3A_260  : i32 {
        %parallel_loop3A_446 = tpu.assume_multiple %parallel_loop3A_445, 16 : i32
        %parallel_loop3A_447 = arith.constant 0 : i32
        %parallel_loop3A_448 = arith.index_cast %parallel_loop3A_447 : i32 to index
        %parallel_loop3A_449 = arith.index_cast %parallel_loop3A_446 : i32 to index
        %parallel_loop3A_450 = tpu.vector_load %arg8[%parallel_loop3A_448, %parallel_loop3A_449] {strides = array<i32>} : memref<1x8192xi32, #tpu.memory_space<vmem>>, vector<16xi32>,
        %parallel_loop3A_451 = arith.constant 10000 : i32
        %parallel_loop3A_452 = vector.broadcast %parallel_loop3A_451 : i32 to vector<16xi32>
        %parallel_loop3A_453 = arith.addi %parallel_loop3A_450, %parallel_loop3A_452 : vector<16xi32>
        %parallel_loop3A_454 = arith.index_cast %parallel_loop3A_446 : i32 to index
        %parallel_loop3A_455 = tpu.vector_load %arg9[%parallel_loop3A_454] {strides = array<i32>} : memref<8192xf32, #tpu.memory_space<vmem>>, vector<16xf32>,
        %parallel_loop3A_456 = tpu.vector_load_idx %arg6[%parallel_loop3A_453] : memref<20000xf32, #tpu.memory_space<vmem>>[vector<16xi32>], vector<16xf32>,
        %parallel_loop3A_457 = arith.addf %parallel_loop3A_455, %parallel_loop3A_456 : vector<16xf32>
        %parallel_loop3A_458 = arith.index_cast %parallel_loop3A_446 : i32 to index
        %parallel_loop3A_459 = tpu.vector_load %arg9[%parallel_loop3A_458] {strides = array<i32>} : memref<8192xf32, #tpu.memory_space<vmem>>, vector<16xf32>,
        tpu.vector_store %arg9[%parallel_loop3A_458], %parallel_loop3A_457 {strides = array<i32>} : memref<8192xf32, #tpu.memory_space<vmem>>, vector<16xf32>,
      } {sc.loop_unroll_factor = 4 : i64, sc.parallel_access}
      %add3A_261 = arith.constant 104 : i32
      %add3A_262 = arith.addi %add3A_261, %arg1 : i32
      %mul3A_263 = arith.constant 512 : i32
      %mul3A_264 = arith.muli %add3A_262, %mul3A_263 : i32
      %multiple_of3A_265 = tpu.assume_multiple %mul3A_264, 512 : i32
      %dma_start3A_266 = arith.constant 4096 : i32
      %dma_start3A_267 = tpu.memref_slice %arg9[%dma_start3A_266] : memref<8192xf32, #tpu.memory_space<vmem>> -> memref<512xf32, #tpu.memory_space<vmem>>
      %dma_start3A_268 = tpu.memref_slice %arg13[%multiple_of3A_265] : memref<106496xf32, #tpu.memory_space<vmem_shared>> -> memref<512xf32, #tpu.memory_space<vmem_shared>>
      %dma_start3A_269 = tpu.memref_slice %arg13[%multiple_of3A_265] : memref<106496xf32, #tpu.memory_space<vmem_shared>> -> memref<512xf32, #tpu.memory_space<vmem_shared>>
      %dma_start3A_270 = arith.constant 4096 : i32
      %dma_start3A_271 = tpu.memref_slice %arg9[%dma_start3A_270] : memref<8192xf32, #tpu.memory_space<vmem>> -> memref<512xf32, #tpu.memory_space<vmem>>
      tpu.enqueue_dma source(%dma_start3A_271 : memref<512xf32, #tpu.memory_space<vmem>>) target(%dma_start3A_269 : memref<512xf32, #tpu.memory_space<vmem_shared>>) target_semaphore(%arg18 : memref<!tpu.dma_semaphore, #tpu.memory_space<semaphore_mem>>)
      %add3A_272 = arith.constant 117 : i32
      %add3A_273 = arith.addi %add3A_272, %arg1 : i32
      %mul3A_274 = arith.constant 512 : i32
      %mul3A_275 = arith.muli %add3A_273, %mul3A_274 : i32
      %multiple_of3A_276 = tpu.assume_multiple %mul3A_275, 512 : i32
      %dma_start3A_277 = arith.constant 4608 : i32
      %dma_start3A_278 = tpu.memref_slice %arg9[%dma_start3A_277] : memref<8192xf32, #tpu.memory_space<vmem>> -> memref<512xf32, #tpu.memory_space<vmem>>
      %dma_start3A_279 = tpu.memref_slice %arg13[%multiple_of3A_276] : memref<106496xf32, #tpu.memory_space<vmem_shared>> -> memref<512xf32, #tpu.memory_space<vmem_shared>>
      %dma_start3A_280 = tpu.memref_slice %arg13[%multiple_of3A_276] : memref<106496xf32, #tpu.memory_space<vmem_shared>> -> memref<512xf32, #tpu.memory_space<vmem_shared>>
      %dma_start3A_281 = arith.constant 4608 : i32
      %dma_start3A_282 = tpu.memref_slice %arg9[%dma_start3A_281] : memref<8192xf32, #tpu.memory_space<vmem>> -> memref<512xf32, #tpu.memory_space<vmem>>
      tpu.enqueue_dma source(%dma_start3A_282 : memref<512xf32, #tpu.memory_space<vmem>>) target(%dma_start3A_280 : memref<512xf32, #tpu.memory_space<vmem_shared>>) target_semaphore(%arg18 : memref<!tpu.dma_semaphore, #tpu.memory_space<semaphore_mem>>)
      %add3A_283 = arith.constant 130 : i32
      %add3A_284 = arith.addi %add3A_283, %arg1 : i32
      %mul3A_285 = arith.constant 512 : i32
      %mul3A_286 = arith.muli %add3A_284, %mul3A_285 : i32
      %multiple_of3A_287 = tpu.assume_multiple %mul3A_286, 512 : i32
      %dma_start3A_288 = arith.constant 5120 : i32
      %dma_start3A_289 = tpu.memref_slice %arg9[%dma_start3A_288] : memref<8192xf32, #tpu.memory_space<vmem>> -> memref<512xf32, #tpu.memory_space<vmem>>
      %dma_start3A_290 = tpu.memref_slice %arg13[%multiple_of3A_287] : memref<106496xf32, #tpu.memory_space<vmem_shared>> -> memref<512xf32, #tpu.memory_space<vmem_shared>>
      %dma_start3A_291 = tpu.memref_slice %arg13[%multiple_of3A_287] : memref<106496xf32, #tpu.memory_space<vmem_shared>> -> memref<512xf32, #tpu.memory_space<vmem_shared>>
      %dma_start3A_292 = arith.constant 5120 : i32
      %dma_start3A_293 = tpu.memref_slice %arg9[%dma_start3A_292] : memref<8192xf32, #tpu.memory_space<vmem>> -> memref<512xf32, #tpu.memory_space<vmem>>
      tpu.enqueue_dma source(%dma_start3A_293 : memref<512xf32, #tpu.memory_space<vmem>>) target(%dma_start3A_291 : memref<512xf32, #tpu.memory_space<vmem_shared>>) target_semaphore(%arg18 : memref<!tpu.dma_semaphore, #tpu.memory_space<semaphore_mem>>)
      %add3A_294 = arith.constant 143 : i32
      %add3A_295 = arith.addi %add3A_294, %arg1 : i32
      %mul3A_296 = arith.constant 512 : i32
      %mul3A_297 = arith.muli %add3A_295, %mul3A_296 : i32
      %multiple_of3A_298 = tpu.assume_multiple %mul3A_297, 512 : i32
      %dma_start3A_299 = arith.constant 5632 : i32
      %dma_start3A_300 = tpu.memref_slice %arg9[%dma_start3A_299] : memref<8192xf32, #tpu.memory_space<vmem>> -> memref<512xf32, #tpu.memory_space<vmem>>
      %dma_start3A_301 = tpu.memref_slice %arg13[%multiple_of3A_298] : memref<106496xf32, #tpu.memory_space<vmem_shared>> -> memref<512xf32, #tpu.memory_space<vmem_shared>>
      %dma_start3A_302 = tpu.memref_slice %arg13[%multiple_of3A_298] : memref<106496xf32, #tpu.memory_space<vmem_shared>> -> memref<512xf32, #tpu.memory_space<vmem_shared>>
      %dma_start3A_303 = arith.constant 5632 : i32
      %dma_start3A_304 = tpu.memref_slice %arg9[%dma_start3A_303] : memref<8192xf32, #tpu.memory_space<vmem>> -> memref<512xf32, #tpu.memory_space<vmem>>
      tpu.enqueue_dma source(%dma_start3A_304 : memref<512xf32, #tpu.memory_space<vmem>>) target(%dma_start3A_302 : memref<512xf32, #tpu.memory_space<vmem_shared>>) target_semaphore(%arg18 : memref<!tpu.dma_semaphore, #tpu.memory_space<semaphore_mem>>)
      %add3A_305 = arith.constant 156 : i32
      %add3A_306 = arith.addi %add3A_305, %arg1 : i32
      %mul3A_307 = arith.constant 512 : i32
      %mul3A_308 = arith.muli %add3A_306, %mul3A_307 : i32
      %multiple_of3A_309 = tpu.assume_multiple %mul3A_308, 512 : i32
      %dma_start3A_310 = arith.constant 6144 : i32
      %dma_start3A_311 = tpu.memref_slice %arg9[%dma_start3A_310] : memref<8192xf32, #tpu.memory_space<vmem>> -> memref<512xf32, #tpu.memory_space<vmem>>
      %dma_start3A_312 = tpu.memref_slice %arg13[%multiple_of3A_309] : memref<106496xf32, #tpu.memory_space<vmem_shared>> -> memref<512xf32, #tpu.memory_space<vmem_shared>>
      %dma_start3A_313 = tpu.memref_slice %arg13[%multiple_of3A_309] : memref<106496xf32, #tpu.memory_space<vmem_shared>> -> memref<512xf32, #tpu.memory_space<vmem_shared>>
      %dma_start3A_314 = arith.constant 6144 : i32
      %dma_start3A_315 = tpu.memref_slice %arg9[%dma_start3A_314] : memref<8192xf32, #tpu.memory_space<vmem>> -> memref<512xf32, #tpu.memory_space<vmem>>
      tpu.enqueue_dma source(%dma_start3A_315 : memref<512xf32, #tpu.memory_space<vmem>>) target(%dma_start3A_313 : memref<512xf32, #tpu.memory_space<vmem_shared>>) target_semaphore(%arg18 : memref<!tpu.dma_semaphore, #tpu.memory_space<semaphore_mem>>)
      %add3A_316 = arith.constant 169 : i32
      %add3A_317 = arith.addi %add3A_316, %arg1 : i32
      %mul3A_318 = arith.constant 512 : i32
      %mul3A_319 = arith.muli %add3A_317, %mul3A_318 : i32
      %multiple_of3A_320 = tpu.assume_multiple %mul3A_319, 512 : i32
      %dma_start3A_321 = arith.constant 6656 : i32
      %dma_start3A_322 = tpu.memref_slice %arg9[%dma_start3A_321] : memref<8192xf32, #tpu.memory_space<vmem>> -> memref<512xf32, #tpu.memory_space<vmem>>
      %dma_start3A_323 = tpu.memref_slice %arg13[%multiple_of3A_320] : memref<106496xf32, #tpu.memory_space<vmem_shared>> -> memref<512xf32, #tpu.memory_space<vmem_shared>>
      %dma_start3A_324 = tpu.memref_slice %arg13[%multiple_of3A_320] : memref<106496xf32, #tpu.memory_space<vmem_shared>> -> memref<512xf32, #tpu.memory_space<vmem_shared>>
      %dma_start3A_325 = arith.constant 6656 : i32
      %dma_start3A_326 = tpu.memref_slice %arg9[%dma_start3A_325] : memref<8192xf32, #tpu.memory_space<vmem>> -> memref<512xf32, #tpu.memory_space<vmem>>
      tpu.enqueue_dma source(%dma_start3A_326 : memref<512xf32, #tpu.memory_space<vmem>>) target(%dma_start3A_324 : memref<512xf32, #tpu.memory_space<vmem_shared>>) target_semaphore(%arg18 : memref<!tpu.dma_semaphore, #tpu.memory_space<semaphore_mem>>)
      %add3A_327 = arith.constant 182 : i32
      %add3A_328 = arith.addi %add3A_327, %arg1 : i32
      %mul3A_329 = arith.constant 512 : i32
      %mul3A_330 = arith.muli %add3A_328, %mul3A_329 : i32
      %multiple_of3A_331 = tpu.assume_multiple %mul3A_330, 512 : i32
      %dma_start3A_332 = arith.constant 7168 : i32
      %dma_start3A_333 = tpu.memref_slice %arg9[%dma_start3A_332] : memref<8192xf32, #tpu.memory_space<vmem>> -> memref<512xf32, #tpu.memory_space<vmem>>
      %dma_start3A_334 = tpu.memref_slice %arg13[%multiple_of3A_331] : memref<106496xf32, #tpu.memory_space<vmem_shared>> -> memref<512xf32, #tpu.memory_space<vmem_shared>>
      %dma_start3A_335 = tpu.memref_slice %arg13[%multiple_of3A_331] : memref<106496xf32, #tpu.memory_space<vmem_shared>> -> memref<512xf32, #tpu.memory_space<vmem_shared>>
      %dma_start3A_336 = arith.constant 7168 : i32
      %dma_start3A_337 = tpu.memref_slice %arg9[%dma_start3A_336] : memref<8192xf32, #tpu.memory_space<vmem>> -> memref<512xf32, #tpu.memory_space<vmem>>
      tpu.enqueue_dma source(%dma_start3A_337 : memref<512xf32, #tpu.memory_space<vmem>>) target(%dma_start3A_335 : memref<512xf32, #tpu.memory_space<vmem_shared>>) target_semaphore(%arg18 : memref<!tpu.dma_semaphore, #tpu.memory_space<semaphore_mem>>)
      %add3A_338 = arith.constant 195 : i32
      %add3A_339 = arith.addi %add3A_338, %arg1 : i32
      %mul3A_340 = arith.constant 512 : i32
      %mul3A_341 = arith.muli %add3A_339, %mul3A_340 : i32
      %multiple_of3A_342 = tpu.assume_multiple %mul3A_341, 512 : i32
      %dma_start3A_343 = arith.constant 7680 : i32
      %dma_start3A_344 = tpu.memref_slice %arg9[%dma_start3A_343] : memref<8192xf32, #tpu.memory_space<vmem>> -> memref<512xf32, #tpu.memory_space<vmem>>
      %dma_start3A_345 = tpu.memref_slice %arg13[%multiple_of3A_342] : memref<106496xf32, #tpu.memory_space<vmem_shared>> -> memref<512xf32, #tpu.memory_space<vmem_shared>>
      %dma_start3A_346 = tpu.memref_slice %arg13[%multiple_of3A_342] : memref<106496xf32, #tpu.memory_space<vmem_shared>> -> memref<512xf32, #tpu.memory_space<vmem_shared>>
      %dma_start3A_347 = arith.constant 7680 : i32
      %dma_start3A_348 = tpu.memref_slice %arg9[%dma_start3A_347] : memref<8192xf32, #tpu.memory_space<vmem>> -> memref<512xf32, #tpu.memory_space<vmem>>
      tpu.enqueue_dma source(%dma_start3A_348 : memref<512xf32, #tpu.memory_space<vmem>>) target(%dma_start3A_346 : memref<512xf32, #tpu.memory_space<vmem_shared>>) target_semaphore(%arg18 : memref<!tpu.dma_semaphore, #tpu.memory_space<semaphore_mem>>)
      %dma_wait3A_349 = arith.constant 0 : i32
      %dma_wait3A_350 = tpu.memref_slice %arg9[%dma_wait3A_349] : memref<8192xf32, #tpu.memory_space<vmem>> -> memref<512xf32, #tpu.memory_space<vmem>>
      %dma_wait3A_351 = tpu.memref_slice %arg13[%multiple_of3A_163] : memref<106496xf32, #tpu.memory_space<vmem_shared>> -> memref<512xf32, #tpu.memory_space<vmem_shared>>
      %dma_wait3A_352 = tpu.memref_slice %arg13[%multiple_of3A_163] : memref<106496xf32, #tpu.memory_space<vmem_shared>> -> memref<512xf32, #tpu.memory_space<vmem_shared>>
      %dma_wait3A_353 = arith.constant 0 : i32
      %dma_wait3A_354 = tpu.memref_slice %arg9[%dma_wait3A_353] : memref<8192xf32, #tpu.memory_space<vmem>> -> memref<512xf32, #tpu.memory_space<vmem>>
      tpu.wait_dma2 semaphore(%arg18 : memref<!tpu.dma_semaphore, #tpu.memory_space<semaphore_mem>>) src(%dma_wait3A_354 : memref<512xf32, #tpu.memory_space<vmem>>) dst(%dma_wait3A_352 : memref<512xf32, #tpu.memory_space<vmem_shared>>)
      %dma_wait3A_355 = arith.constant 512 : i32
      %dma_wait3A_356 = tpu.memref_slice %arg9[%dma_wait3A_355] : memref<8192xf32, #tpu.memory_space<vmem>> -> memref<512xf32, #tpu.memory_space<vmem>>
      %dma_wait3A_357 = tpu.memref_slice %arg13[%multiple_of3A_174] : memref<106496xf32, #tpu.memory_space<vmem_shared>> -> memref<512xf32, #tpu.memory_space<vmem_shared>>
      %dma_wait3A_358 = tpu.memref_slice %arg13[%multiple_of3A_174] : memref<106496xf32, #tpu.memory_space<vmem_shared>> -> memref<512xf32, #tpu.memory_space<vmem_shared>>
      %dma_wait3A_359 = arith.constant 512 : i32
      %dma_wait3A_360 = tpu.memref_slice %arg9[%dma_wait3A_359] : memref<8192xf32, #tpu.memory_space<vmem>> -> memref<512xf32, #tpu.memory_space<vmem>>
      tpu.wait_dma2 semaphore(%arg18 : memref<!tpu.dma_semaphore, #tpu.memory_space<semaphore_mem>>) src(%dma_wait3A_360 : memref<512xf32, #tpu.memory_space<vmem>>) dst(%dma_wait3A_358 : memref<512xf32, #tpu.memory_space<vmem_shared>>)
      %dma_wait3A_361 = arith.constant 1024 : i32
      %dma_wait3A_362 = tpu.memref_slice %arg9[%dma_wait3A_361] : memref<8192xf32, #tpu.memory_space<vmem>> -> memref<512xf32, #tpu.memory_space<vmem>>
      %dma_wait3A_363 = tpu.memref_slice %arg13[%multiple_of3A_185] : memref<106496xf32, #tpu.memory_space<vmem_shared>> -> memref<512xf32, #tpu.memory_space<vmem_shared>>
      %dma_wait3A_364 = tpu.memref_slice %arg13[%multiple_of3A_185] : memref<106496xf32, #tpu.memory_space<vmem_shared>> -> memref<512xf32, #tpu.memory_space<vmem_shared>>
      %dma_wait3A_365 = arith.constant 1024 : i32
      %dma_wait3A_366 = tpu.memref_slice %arg9[%dma_wait3A_365] : memref<8192xf32, #tpu.memory_space<vmem>> -> memref<512xf32, #tpu.memory_space<vmem>>
      tpu.wait_dma2 semaphore(%arg18 : memref<!tpu.dma_semaphore, #tpu.memory_space<semaphore_mem>>) src(%dma_wait3A_366 : memref<512xf32, #tpu.memory_space<vmem>>) dst(%dma_wait3A_364 : memref<512xf32, #tpu.memory_space<vmem_shared>>)
      %dma_wait3A_367 = arith.constant 1536 : i32
      %dma_wait3A_368 = tpu.memref_slice %arg9[%dma_wait3A_367] : memref<8192xf32, #tpu.memory_space<vmem>> -> memref<512xf32, #tpu.memory_space<vmem>>
      %dma_wait3A_369 = tpu.memref_slice %arg13[%multiple_of3A_196] : memref<106496xf32, #tpu.memory_space<vmem_shared>> -> memref<512xf32, #tpu.memory_space<vmem_shared>>
      %dma_wait3A_370 = tpu.memref_slice %arg13[%multiple_of3A_196] : memref<106496xf32, #tpu.memory_space<vmem_shared>> -> memref<512xf32, #tpu.memory_space<vmem_shared>>
      %dma_wait3A_371 = arith.constant 1536 : i32
      %dma_wait3A_372 = tpu.memref_slice %arg9[%dma_wait3A_371] : memref<8192xf32, #tpu.memory_space<vmem>> -> memref<512xf32, #tpu.memory_space<vmem>>
      tpu.wait_dma2 semaphore(%arg18 : memref<!tpu.dma_semaphore, #tpu.memory_space<semaphore_mem>>) src(%dma_wait3A_372 : memref<512xf32, #tpu.memory_space<vmem>>) dst(%dma_wait3A_370 : memref<512xf32, #tpu.memory_space<vmem_shared>>)
      %dma_wait3A_373 = arith.constant 2048 : i32
      %dma_wait3A_374 = tpu.memref_slice %arg9[%dma_wait3A_373] : memref<8192xf32, #tpu.memory_space<vmem>> -> memref<512xf32, #tpu.memory_space<vmem>>
      %dma_wait3A_375 = tpu.memref_slice %arg13[%multiple_of3A_207] : memref<106496xf32, #tpu.memory_space<vmem_shared>> -> memref<512xf32, #tpu.memory_space<vmem_shared>>
      %dma_wait3A_376 = tpu.memref_slice %arg13[%multiple_of3A_207] : memref<106496xf32, #tpu.memory_space<vmem_shared>> -> memref<512xf32, #tpu.memory_space<vmem_shared>>
      %dma_wait3A_377 = arith.constant 2048 : i32
      %dma_wait3A_378 = tpu.memref_slice %arg9[%dma_wait3A_377] : memref<8192xf32, #tpu.memory_space<vmem>> -> memref<512xf32, #tpu.memory_space<vmem>>
      tpu.wait_dma2 semaphore(%arg18 : memref<!tpu.dma_semaphore, #tpu.memory_space<semaphore_mem>>) src(%dma_wait3A_378 : memref<512xf32, #tpu.memory_space<vmem>>) dst(%dma_wait3A_376 : memref<512xf32, #tpu.memory_space<vmem_shared>>)
      %dma_wait3A_379 = arith.constant 2560 : i32
      %dma_wait3A_380 = tpu.memref_slice %arg9[%dma_wait3A_379] : memref<8192xf32, #tpu.memory_space<vmem>> -> memref<512xf32, #tpu.memory_space<vmem>>
      %dma_wait3A_381 = tpu.memref_slice %arg13[%multiple_of3A_218] : memref<106496xf32, #tpu.memory_space<vmem_shared>> -> memref<512xf32, #tpu.memory_space<vmem_shared>>
      %dma_wait3A_382 = tpu.memref_slice %arg13[%multiple_of3A_218] : memref<106496xf32, #tpu.memory_space<vmem_shared>> -> memref<512xf32, #tpu.memory_space<vmem_shared>>
      %dma_wait3A_383 = arith.constant 2560 : i32
      %dma_wait3A_384 = tpu.memref_slice %arg9[%dma_wait3A_383] : memref<8192xf32, #tpu.memory_space<vmem>> -> memref<512xf32, #tpu.memory_space<vmem>>
      tpu.wait_dma2 semaphore(%arg18 : memref<!tpu.dma_semaphore, #tpu.memory_space<semaphore_mem>>) src(%dma_wait3A_384 : memref<512xf32, #tpu.memory_space<vmem>>) dst(%dma_wait3A_382 : memref<512xf32, #tpu.memory_space<vmem_shared>>)
      %dma_wait3A_385 = arith.constant 3072 : i32
      %dma_wait3A_386 = tpu.memref_slice %arg9[%dma_wait3A_385] : memref<8192xf32, #tpu.memory_space<vmem>> -> memref<512xf32, #tpu.memory_space<vmem>>
      %dma_wait3A_387 = tpu.memref_slice %arg13[%multiple_of3A_229] : memref<106496xf32, #tpu.memory_space<vmem_shared>> -> memref<512xf32, #tpu.memory_space<vmem_shared>>
      %dma_wait3A_388 = tpu.memref_slice %arg13[%multiple_of3A_229] : memref<106496xf32, #tpu.memory_space<vmem_shared>> -> memref<512xf32, #tpu.memory_space<vmem_shared>>
      %dma_wait3A_389 = arith.constant 3072 : i32
      %dma_wait3A_390 = tpu.memref_slice %arg9[%dma_wait3A_389] : memref<8192xf32, #tpu.memory_space<vmem>> -> memref<512xf32, #tpu.memory_space<vmem>>
      tpu.wait_dma2 semaphore(%arg18 : memref<!tpu.dma_semaphore, #tpu.memory_space<semaphore_mem>>) src(%dma_wait3A_390 : memref<512xf32, #tpu.memory_space<vmem>>) dst(%dma_wait3A_388 : memref<512xf32, #tpu.memory_space<vmem_shared>>)
      %dma_wait3A_391 = arith.constant 3584 : i32
      %dma_wait3A_392 = tpu.memref_slice %arg9[%dma_wait3A_391] : memref<8192xf32, #tpu.memory_space<vmem>> -> memref<512xf32, #tpu.memory_space<vmem>>
      %dma_wait3A_393 = tpu.memref_slice %arg13[%multiple_of3A_240] : memref<106496xf32, #tpu.memory_space<vmem_shared>> -> memref<512xf32, #tpu.memory_space<vmem_shared>>
      %dma_wait3A_394 = tpu.memref_slice %arg13[%multiple_of3A_240] : memref<106496xf32, #tpu.memory_space<vmem_shared>> -> memref<512xf32, #tpu.memory_space<vmem_shared>>
      %dma_wait3A_395 = arith.constant 3584 : i32
      %dma_wait3A_396 = tpu.memref_slice %arg9[%dma_wait3A_395] : memref<8192xf32, #tpu.memory_space<vmem>> -> memref<512xf32, #tpu.memory_space<vmem>>
      tpu.wait_dma2 semaphore(%arg18 : memref<!tpu.dma_semaphore, #tpu.memory_space<semaphore_mem>>) src(%dma_wait3A_396 : memref<512xf32, #tpu.memory_space<vmem>>) dst(%dma_wait3A_394 : memref<512xf32, #tpu.memory_space<vmem_shared>>)
      %dma_wait3A_397 = arith.constant 4096 : i32
      %dma_wait3A_398 = tpu.memref_slice %arg9[%dma_wait3A_397] : memref<8192xf32, #tpu.memory_space<vmem>> -> memref<512xf32, #tpu.memory_space<vmem>>
      %dma_wait3A_399 = tpu.memref_slice %arg13[%multiple_of3A_265] : memref<106496xf32, #tpu.memory_space<vmem_shared>> -> memref<512xf32, #tpu.memory_space<vmem_shared>>
      %dma_wait3A_400 = tpu.memref_slice %arg13[%multiple_of3A_265] : memref<106496xf32, #tpu.memory_space<vmem_shared>> -> memref<512xf32, #tpu.memory_space<vmem_shared>>
      %dma_wait3A_401 = arith.constant 4096 : i32
      %dma_wait3A_402 = tpu.memref_slice %arg9[%dma_wait3A_401] : memref<8192xf32, #tpu.memory_space<vmem>> -> memref<512xf32, #tpu.memory_space<vmem>>
      tpu.wait_dma2 semaphore(%arg18 : memref<!tpu.dma_semaphore, #tpu.memory_space<semaphore_mem>>) src(%dma_wait3A_402 : memref<512xf32, #tpu.memory_space<vmem>>) dst(%dma_wait3A_400 : memref<512xf32, #tpu.memory_space<vmem_shared>>)
      %dma_wait3A_403 = arith.constant 4608 : i32
      %dma_wait3A_404 = tpu.memref_slice %arg9[%dma_wait3A_403] : memref<8192xf32, #tpu.memory_space<vmem>> -> memref<512xf32, #tpu.memory_space<vmem>>
      %dma_wait3A_405 = tpu.memref_slice %arg13[%multiple_of3A_276] : memref<106496xf32, #tpu.memory_space<vmem_shared>> -> memref<512xf32, #tpu.memory_space<vmem_shared>>
      %dma_wait3A_406 = tpu.memref_slice %arg13[%multiple_of3A_276] : memref<106496xf32, #tpu.memory_space<vmem_shared>> -> memref<512xf32, #tpu.memory_space<vmem_shared>>
      %dma_wait3A_407 = arith.constant 4608 : i32
      %dma_wait3A_408 = tpu.memref_slice %arg9[%dma_wait3A_407] : memref<8192xf32, #tpu.memory_space<vmem>> -> memref<512xf32, #tpu.memory_space<vmem>>
      tpu.wait_dma2 semaphore(%arg18 : memref<!tpu.dma_semaphore, #tpu.memory_space<semaphore_mem>>) src(%dma_wait3A_408 : memref<512xf32, #tpu.memory_space<vmem>>) dst(%dma_wait3A_406 : memref<512xf32, #tpu.memory_space<vmem_shared>>)
      %dma_wait3A_409 = arith.constant 5120 : i32
      %dma_wait3A_410 = tpu.memref_slice %arg9[%dma_wait3A_409] : memref<8192xf32, #tpu.memory_space<vmem>> -> memref<512xf32, #tpu.memory_space<vmem>>
      %dma_wait3A_411 = tpu.memref_slice %arg13[%multiple_of3A_287] : memref<106496xf32, #tpu.memory_space<vmem_shared>> -> memref<512xf32, #tpu.memory_space<vmem_shared>>
      %dma_wait3A_412 = tpu.memref_slice %arg13[%multiple_of3A_287] : memref<106496xf32, #tpu.memory_space<vmem_shared>> -> memref<512xf32, #tpu.memory_space<vmem_shared>>
      %dma_wait3A_413 = arith.constant 5120 : i32
      %dma_wait3A_414 = tpu.memref_slice %arg9[%dma_wait3A_413] : memref<8192xf32, #tpu.memory_space<vmem>> -> memref<512xf32, #tpu.memory_space<vmem>>
      tpu.wait_dma2 semaphore(%arg18 : memref<!tpu.dma_semaphore, #tpu.memory_space<semaphore_mem>>) src(%dma_wait3A_414 : memref<512xf32, #tpu.memory_space<vmem>>) dst(%dma_wait3A_412 : memref<512xf32, #tpu.memory_space<vmem_shared>>)
      %dma_wait3A_415 = arith.constant 5632 : i32
      %dma_wait3A_416 = tpu.memref_slice %arg9[%dma_wait3A_415] : memref<8192xf32, #tpu.memory_space<vmem>> -> memref<512xf32, #tpu.memory_space<vmem>>
      %dma_wait3A_417 = tpu.memref_slice %arg13[%multiple_of3A_298] : memref<106496xf32, #tpu.memory_space<vmem_shared>> -> memref<512xf32, #tpu.memory_space<vmem_shared>>
      %dma_wait3A_418 = tpu.memref_slice %arg13[%multiple_of3A_298] : memref<106496xf32, #tpu.memory_space<vmem_shared>> -> memref<512xf32, #tpu.memory_space<vmem_shared>>
      %dma_wait3A_419 = arith.constant 5632 : i32
      %dma_wait3A_420 = tpu.memref_slice %arg9[%dma_wait3A_419] : memref<8192xf32, #tpu.memory_space<vmem>> -> memref<512xf32, #tpu.memory_space<vmem>>
      tpu.wait_dma2 semaphore(%arg18 : memref<!tpu.dma_semaphore, #tpu.memory_space<semaphore_mem>>) src(%dma_wait3A_420 : memref<512xf32, #tpu.memory_space<vmem>>) dst(%dma_wait3A_418 : memref<512xf32, #tpu.memory_space<vmem_shared>>)
      %dma_wait3A_421 = arith.constant 6144 : i32
      %dma_wait3A_422 = tpu.memref_slice %arg9[%dma_wait3A_421] : memref<8192xf32, #tpu.memory_space<vmem>> -> memref<512xf32, #tpu.memory_space<vmem>>
      %dma_wait3A_423 = tpu.memref_slice %arg13[%multiple_of3A_309] : memref<106496xf32, #tpu.memory_space<vmem_shared>> -> memref<512xf32, #tpu.memory_space<vmem_shared>>
      %dma_wait3A_424 = tpu.memref_slice %arg13[%multiple_of3A_309] : memref<106496xf32, #tpu.memory_space<vmem_shared>> -> memref<512xf32, #tpu.memory_space<vmem_shared>>
      %dma_wait3A_425 = arith.constant 6144 : i32
      %dma_wait3A_426 = tpu.memref_slice %arg9[%dma_wait3A_425] : memref<8192xf32, #tpu.memory_space<vmem>> -> memref<512xf32, #tpu.memory_space<vmem>>
      tpu.wait_dma2 semaphore(%arg18 : memref<!tpu.dma_semaphore, #tpu.memory_space<semaphore_mem>>) src(%dma_wait3A_426 : memref<512xf32, #tpu.memory_space<vmem>>) dst(%dma_wait3A_424 : memref<512xf32, #tpu.memory_space<vmem_shared>>)
      %dma_wait3A_427 = arith.constant 6656 : i32
      %dma_wait3A_428 = tpu.memref_slice %arg9[%dma_wait3A_427] : memref<8192xf32, #tpu.memory_space<vmem>> -> memref<512xf32, #tpu.memory_space<vmem>>
      %dma_wait3A_429 = tpu.memref_slice %arg13[%multiple_of3A_320] : memref<106496xf32, #tpu.memory_space<vmem_shared>> -> memref<512xf32, #tpu.memory_space<vmem_shared>>
      %dma_wait3A_430 = tpu.memref_slice %arg13[%multiple_of3A_320] : memref<106496xf32, #tpu.memory_space<vmem_shared>> -> memref<512xf32, #tpu.memory_space<vmem_shared>>
      %dma_wait3A_431 = arith.constant 6656 : i32
      %dma_wait3A_432 = tpu.memref_slice %arg9[%dma_wait3A_431] : memref<8192xf32, #tpu.memory_space<vmem>> -> memref<512xf32, #tpu.memory_space<vmem>>
      tpu.wait_dma2 semaphore(%arg18 : memref<!tpu.dma_semaphore, #tpu.memory_space<semaphore_mem>>) src(%dma_wait3A_432 : memref<512xf32, #tpu.memory_space<vmem>>) dst(%dma_wait3A_430 : memref<512xf32, #tpu.memory_space<vmem_shared>>)
      %dma_wait3A_433 = arith.constant 7168 : i32
      %dma_wait3A_434 = tpu.memref_slice %arg9[%dma_wait3A_433] : memref<8192xf32, #tpu.memory_space<vmem>> -> memref<512xf32, #tpu.memory_space<vmem>>
      %dma_wait3A_435 = tpu.memref_slice %arg13[%multiple_of3A_331] : memref<106496xf32, #tpu.memory_space<vmem_shared>> -> memref<512xf32, #tpu.memory_space<vmem_shared>>
      %dma_wait3A_436 = tpu.memref_slice %arg13[%multiple_of3A_331] : memref<106496xf32, #tpu.memory_space<vmem_shared>> -> memref<512xf32, #tpu.memory_space<vmem_shared>>
      %dma_wait3A_437 = arith.constant 7168 : i32
      %dma_wait3A_438 = tpu.memref_slice %arg9[%dma_wait3A_437] : memref<8192xf32, #tpu.memory_space<vmem>> -> memref<512xf32, #tpu.memory_space<vmem>>
      tpu.wait_dma2 semaphore(%arg18 : memref<!tpu.dma_semaphore, #tpu.memory_space<semaphore_mem>>) src(%dma_wait3A_438 : memref<512xf32, #tpu.memory_space<vmem>>) dst(%dma_wait3A_436 : memref<512xf32, #tpu.memory_space<vmem_shared>>)
      %dma_wait3A_439 = arith.constant 7680 : i32
      %dma_wait3A_440 = tpu.memref_slice %arg9[%dma_wait3A_439] : memref<8192xf32, #tpu.memory_space<vmem>> -> memref<512xf32, #tpu.memory_space<vmem>>
      %dma_wait3A_441 = tpu.memref_slice %arg13[%multiple_of3A_342] : memref<106496xf32, #tpu.memory_space<vmem_shared>> -> memref<512xf32, #tpu.memory_space<vmem_shared>>
      %dma_wait3A_442 = tpu.memref_slice %arg13[%multiple_of3A_342] : memref<106496xf32, #tpu.memory_space<vmem_shared>> -> memref<512xf32, #tpu.memory_space<vmem_shared>>
      %dma_wait3A_443 = arith.constant 7680 : i32
      %dma_wait3A_444 = tpu.memref_slice %arg9[%dma_wait3A_443] : memref<8192xf32, #tpu.memory_space<vmem>> -> memref<512xf32, #tpu.memory_space<vmem>>
      tpu.wait_dma2 semaphore(%arg18 : memref<!tpu.dma_semaphore, #tpu.memory_space<semaphore_mem>>) src(%dma_wait3A_444 : memref<512xf32, #tpu.memory_space<vmem>>) dst(%dma_wait3A_442 : memref<512xf32, #tpu.memory_space<vmem_shared>>)
    } else {
    }
    %barrier3A = arith.constant 0 : index
    tpu.barrier barrier_id(%barrier3A)
    %mul3A_6 = arith.constant 13 : i32
    %mul3A_7 = arith.muli %arg1, %mul3A_6 : i32
    %mul3A_8 = arith.constant 512 : i32
    %mul3A_9 = arith.muli %mul3A_7, %mul3A_8 : i32
    %multiple_of3A_10 = tpu.assume_multiple %mul3A_9, 512 : i32
    %dma_start3A_11 = tpu.memref_slice %arg13[%multiple_of3A_10] : memref<106496xf32, #tpu.memory_space<vmem_shared>> -> memref<6656xf32, #tpu.memory_space<vmem_shared>>
    %dma_start3A_12 = tpu.memref_slice %arg13[%multiple_of3A_10] : memref<106496xf32, #tpu.memory_space<vmem_shared>> -> memref<6656xf32, #tpu.memory_space<vmem_shared>>
    tpu.enqueue_dma source(%dma_start3A_12 : memref<6656xf32, #tpu.memory_space<vmem_shared>>) target(%arg10 : memref<6656xf32, #tpu.memory_space<vmem>>) target_semaphore(%arg19 : memref<!tpu.dma_semaphore, #tpu.memory_space<semaphore_mem>>)
    %dma_wait3A = tpu.memref_slice %arg13[%multiple_of3A_10] : memref<106496xf32, #tpu.memory_space<vmem_shared>> -> memref<6656xf32, #tpu.memory_space<vmem_shared>>
    %dma_wait3A_13 = tpu.memref_slice %arg13[%multiple_of3A_10] : memref<106496xf32, #tpu.memory_space<vmem_shared>> -> memref<6656xf32, #tpu.memory_space<vmem_shared>>
    tpu.wait_dma2 semaphore(%arg19 : memref<!tpu.dma_semaphore, #tpu.memory_space<semaphore_mem>>) src(%dma_wait3A_13 : memref<6656xf32, #tpu.memory_space<vmem_shared>>) dst(%arg10 : memref<6656xf32, #tpu.memory_space<vmem>>)
    %dma_wait3A_14 = arith.constant 0 : i32
    %dma_wait3A_15 = tpu.memref_slice %arg12[%dma_wait3A_14] : memref<16xf32, #tpu.memory_space<vmem>> -> memref<1xf32, #tpu.memory_space<vmem>>
    %dma_wait3A_16 = arith.constant 0 : i32
    %dma_wait3A_17 = tpu.memref_slice %arg12[%dma_wait3A_16] : memref<16xf32, #tpu.memory_space<vmem>> -> memref<1xf32, #tpu.memory_space<vmem>>
    tpu.wait_dma2 semaphore(%arg20 : memref<!tpu.dma_semaphore, #tpu.memory_space<semaphore_mem>>) src(%arg4 : memref<1xf32, #tpu.memory_space<hbm>>) dst(%dma_wait3A_17 : memref<1xf32, #tpu.memory_space<vmem>>)
    %get3A = arith.constant 0 : index
    %get3A_18 = tpu.vector_load %arg12[%get3A] {strides = array<i32>} : memref<16xf32, #tpu.memory_space<vmem>>, vector<16xf32>,
    %iota3A = tpu.iota {dimensions = array<i32: 0>} : vector<16xi32>
    %eq3A = arith.constant 0 : i32
    %eq3A_19 = vector.broadcast %eq3A : i32 to vector<16xi32>
    %eq3A_20 = arith.cmpi eq, %iota3A, %eq3A_19 : vector<16xi32>
    %jit3A = arith.constant 0.000000e+00 : f32
    %broadcast_in_dim3A = vector.broadcast %jit3A : f32 to vector<16xf32>
    %select_n3A = arith.select %eq3A_20, %get3A_18, %broadcast_in_dim3A : vector<16xi1>, vector<16xf32>
    %reduce_sum3A = arith.constant true
    %reduce_sum3A_21 = vector.broadcast %reduce_sum3A : i1 to vector<16xi1>
    %reduce_sum3A_22 = tpu.scan <sum>, %select_n3A masked %reduce_sum3A_21 : vector<16xf32>, vector<16xi1> -> vector<16xf32>
    %reduce_sum3A_23 = vector.extract %reduce_sum3A_22[15] : f32 from vector<16xf32>
    %broadcast_in_dim3A_24 = vector.broadcast %reduce_sum3A_23 : f32 to vector<16xf32>
    %parallel_loop3A = arith.constant 0 : i32
    %parallel_loop3A_25 = arith.constant 512 : i32
    %parallel_loop3A_26 = arith.constant 16 : i32
    scf.for %parallel_loop3A_30 = %parallel_loop3A to %parallel_loop3A_25 step %parallel_loop3A_26  : i32 {
      %parallel_loop3A_31 = tpu.assume_multiple %parallel_loop3A_30, 16 : i32
      %parallel_loop3A_32 = arith.index_cast %parallel_loop3A_31 : i32 to index
      %parallel_loop3A_33 = tpu.vector_load %arg10[%parallel_loop3A_32] {strides = array<i32>} : memref<6656xf32, #tpu.memory_space<vmem>>, vector<16xf32>,
      %parallel_loop3A_34 = arith.constant 512 : i32
      %parallel_loop3A_35 = arith.addi %parallel_loop3A_34, %parallel_loop3A_31 : i32
      %parallel_loop3A_36 = arith.index_cast %parallel_loop3A_35 : i32 to index
      %parallel_loop3A_37 = tpu.vector_load %arg10[%parallel_loop3A_36] {strides = array<i32>} : memref<6656xf32, #tpu.memory_space<vmem>>, vector<16xf32>,
      %parallel_loop3A_38 = arith.addf %parallel_loop3A_33, %parallel_loop3A_37 : vector<16xf32>
      %parallel_loop3A_39 = arith.constant 1024 : i32
      %parallel_loop3A_40 = arith.addi %parallel_loop3A_39, %parallel_loop3A_31 : i32
      %parallel_loop3A_41 = arith.index_cast %parallel_loop3A_40 : i32 to index
      %parallel_loop3A_42 = tpu.vector_load %arg10[%parallel_loop3A_41] {strides = array<i32>} : memref<6656xf32, #tpu.memory_space<vmem>>, vector<16xf32>,
      %parallel_loop3A_43 = arith.addf %parallel_loop3A_38, %parallel_loop3A_42 : vector<16xf32>
      %parallel_loop3A_44 = arith.constant 1536 : i32
      %parallel_loop3A_45 = arith.addi %parallel_loop3A_44, %parallel_loop3A_31 : i32
      %parallel_loop3A_46 = arith.index_cast %parallel_loop3A_45 : i32 to index
      %parallel_loop3A_47 = tpu.vector_load %arg10[%parallel_loop3A_46] {strides = array<i32>} : memref<6656xf32, #tpu.memory_space<vmem>>, vector<16xf32>,
      %parallel_loop3A_48 = arith.addf %parallel_loop3A_43, %parallel_loop3A_47 : vector<16xf32>
      %parallel_loop3A_49 = arith.constant 2048 : i32
      %parallel_loop3A_50 = arith.addi %parallel_loop3A_49, %parallel_loop3A_31 : i32
      %parallel_loop3A_51 = arith.index_cast %parallel_loop3A_50 : i32 to index
      %parallel_loop3A_52 = tpu.vector_load %arg10[%parallel_loop3A_51] {strides = array<i32>} : memref<6656xf32, #tpu.memory_space<vmem>>, vector<16xf32>,
      %parallel_loop3A_53 = arith.addf %parallel_loop3A_48, %parallel_loop3A_52 : vector<16xf32>
      %parallel_loop3A_54 = arith.constant 2560 : i32
      %parallel_loop3A_55 = arith.addi %parallel_loop3A_54, %parallel_loop3A_31 : i32
      %parallel_loop3A_56 = arith.index_cast %parallel_loop3A_55 : i32 to index
      %parallel_loop3A_57 = tpu.vector_load %arg10[%parallel_loop3A_56] {strides = array<i32>} : memref<6656xf32, #tpu.memory_space<vmem>>, vector<16xf32>,
      %parallel_loop3A_58 = arith.addf %parallel_loop3A_53, %parallel_loop3A_57 : vector<16xf32>
      %parallel_loop3A_59 = arith.constant 3072 : i32
      %parallel_loop3A_60 = arith.addi %parallel_loop3A_59, %parallel_loop3A_31 : i32
      %parallel_loop3A_61 = arith.index_cast %parallel_loop3A_60 : i32 to index
      %parallel_loop3A_62 = tpu.vector_load %arg10[%parallel_loop3A_61] {strides = array<i32>} : memref<6656xf32, #tpu.memory_space<vmem>>, vector<16xf32>,
      %parallel_loop3A_63 = arith.addf %parallel_loop3A_58, %parallel_loop3A_62 : vector<16xf32>
      %parallel_loop3A_64 = arith.constant 3584 : i32
      %parallel_loop3A_65 = arith.addi %parallel_loop3A_64, %parallel_loop3A_31 : i32
      %parallel_loop3A_66 = arith.index_cast %parallel_loop3A_65 : i32 to index
      %parallel_loop3A_67 = tpu.vector_load %arg10[%parallel_loop3A_66] {strides = array<i32>} : memref<6656xf32, #tpu.memory_space<vmem>>, vector<16xf32>,
      %parallel_loop3A_68 = arith.addf %parallel_loop3A_63, %parallel_loop3A_67 : vector<16xf32>
      %parallel_loop3A_69 = arith.constant 4096 : i32
      %parallel_loop3A_70 = arith.addi %parallel_loop3A_69, %parallel_loop3A_31 : i32
      %parallel_loop3A_71 = arith.index_cast %parallel_loop3A_70 : i32 to index
      %parallel_loop3A_72 = tpu.vector_load %arg10[%parallel_loop3A_71] {strides = array<i32>} : memref<6656xf32, #tpu.memory_space<vmem>>, vector<16xf32>,
      %parallel_loop3A_73 = arith.addf %parallel_loop3A_68, %parallel_loop3A_72 : vector<16xf32>
      %parallel_loop3A_74 = arith.constant 4608 : i32
      %parallel_loop3A_75 = arith.addi %parallel_loop3A_74, %parallel_loop3A_31 : i32
      %parallel_loop3A_76 = arith.index_cast %parallel_loop3A_75 : i32 to index
      %parallel_loop3A_77 = tpu.vector_load %arg10[%parallel_loop3A_76] {strides = array<i32>} : memref<6656xf32, #tpu.memory_space<vmem>>, vector<16xf32>,
      %parallel_loop3A_78 = arith.addf %parallel_loop3A_73, %parallel_loop3A_77 : vector<16xf32>
      %parallel_loop3A_79 = arith.constant 5120 : i32
      %parallel_loop3A_80 = arith.addi %parallel_loop3A_79, %parallel_loop3A_31 : i32
      %parallel_loop3A_81 = arith.index_cast %parallel_loop3A_80 : i32 to index
      %parallel_loop3A_82 = tpu.vector_load %arg10[%parallel_loop3A_81] {strides = array<i32>} : memref<6656xf32, #tpu.memory_space<vmem>>, vector<16xf32>,
      %parallel_loop3A_83 = arith.addf %parallel_loop3A_78, %parallel_loop3A_82 : vector<16xf32>
      %parallel_loop3A_84 = arith.constant 5632 : i32
      %parallel_loop3A_85 = arith.addi %parallel_loop3A_84, %parallel_loop3A_31 : i32
      %parallel_loop3A_86 = arith.index_cast %parallel_loop3A_85 : i32 to index
      %parallel_loop3A_87 = tpu.vector_load %arg10[%parallel_loop3A_86] {strides = array<i32>} : memref<6656xf32, #tpu.memory_space<vmem>>, vector<16xf32>,
      %parallel_loop3A_88 = arith.addf %parallel_loop3A_83, %parallel_loop3A_87 : vector<16xf32>
      %parallel_loop3A_89 = arith.constant 6144 : i32
      %parallel_loop3A_90 = arith.addi %parallel_loop3A_89, %parallel_loop3A_31 : i32
      %parallel_loop3A_91 = arith.index_cast %parallel_loop3A_90 : i32 to index
      %parallel_loop3A_92 = tpu.vector_load %arg10[%parallel_loop3A_91] {strides = array<i32>} : memref<6656xf32, #tpu.memory_space<vmem>>, vector<16xf32>,
      %parallel_loop3A_93 = arith.addf %parallel_loop3A_88, %parallel_loop3A_92 : vector<16xf32>
      %parallel_loop3A_94 = arith.addf %parallel_loop3A_93, %broadcast_in_dim3A_24 : vector<16xf32>
      %parallel_loop3A_95 = arith.constant 0.000000e+00 : f32
      %parallel_loop3A_96 = vector.broadcast %parallel_loop3A_95 : f32 to vector<16xf32>
      %parallel_loop3A_97 = arith.subf %parallel_loop3A_96, %parallel_loop3A_94 : vector<16xf32>
      %parallel_loop3A_98 = math.exp %parallel_loop3A_97 : vector<16xf32>
      %parallel_loop3A_99 = arith.constant 1.000000e+00 : f32
      %parallel_loop3A_100 = vector.broadcast %parallel_loop3A_99 : f32 to vector<16xf32>
      %parallel_loop3A_101 = arith.addf %parallel_loop3A_100, %parallel_loop3A_98 : vector<16xf32>
      %parallel_loop3A_102 = arith.constant 1.000000e+00 : f32
      %parallel_loop3A_103 = vector.broadcast %parallel_loop3A_102 : f32 to vector<16xf32>
      %parallel_loop3A_104 = arith.divf %parallel_loop3A_103, %parallel_loop3A_101 : vector<16xf32>
      %parallel_loop3A_105 = arith.index_cast %parallel_loop3A_31 : i32 to index
      %parallel_loop3A_106 = tpu.vector_load %arg11[%parallel_loop3A_105] {strides = array<i32>} : memref<512xf32, #tpu.memory_space<vmem>>, vector<16xf32>,
      tpu.vector_store %arg11[%parallel_loop3A_105], %parallel_loop3A_104 {strides = array<i32>} : memref<512xf32, #tpu.memory_space<vmem>>, vector<16xf32>,
    } {sc.loop_unroll_factor = 1 : i64, sc.parallel_access}
    %mul3A_27 = arith.constant 512 : i32
    %mul3A_28 = arith.muli %arg1, %mul3A_27 : i32
    %multiple_of3A_29 = tpu.assume_multiple %mul3A_28, 512 : i32
    %add3A = arith.addi %multiple_of3A, %multiple_of3A_29 : i32
    "tpu.region"() ({
      %run_scoped3A = tpu.sem_alloc : memref<!tpu.dma_semaphore, #tpu.memory_space<semaphore_mem>>
      %dma_start3A_30 = tpu.memref_slice %arg5[%add3A] : memref<16384xf32, #tpu.memory_space<hbm>> -> memref<512xf32, #tpu.memory_space<hbm>>
      %dma_start3A_31 = tpu.memref_slice %arg5[%add3A] : memref<16384xf32, #tpu.memory_space<hbm>> -> memref<512xf32, #tpu.memory_space<hbm>>
      tpu.enqueue_dma source(%arg11 : memref<512xf32, #tpu.memory_space<vmem>>) target(%dma_start3A_31 : memref<512xf32, #tpu.memory_space<hbm>>) target_semaphore(%run_scoped3A : memref<!tpu.dma_semaphore, #tpu.memory_space<semaphore_mem>>)
      %dma_wait3A_32 = tpu.memref_slice %arg5[%add3A] : memref<16384xf32, #tpu.memory_space<hbm>> -> memref<512xf32, #tpu.memory_space<hbm>>
      %dma_wait3A_33 = tpu.memref_slice %arg5[%add3A] : memref<16384xf32, #tpu.memory_space<hbm>> -> memref<512xf32, #tpu.memory_space<hbm>>
      tpu.wait_dma2 semaphore(%run_scoped3A : memref<!tpu.dma_semaphore, #tpu.memory_space<semaphore_mem>>) src(%arg11 : memref<512xf32, #tpu.memory_space<vmem>>) dst(%dma_wait3A_33 : memref<512xf32, #tpu.memory_space<hbm>>)
      tpu.yield
    }) : () -> ()
    return
  }
}

</mosaic_0001>

<sc_bundles>
// kernel: kernel.3.cloned.1.call-start
scs
__scs_entry_jumppad:
0x0: {  	(pc) =	sbr.rel $0x88, $3  }
0x1: {  	(tag) =	ssettag $0x0;
	lr =	simm.s32 $0x1  }
0x2: {  	[smem:$0x3F9E] =	sst lr;
	_ =	strace $0xD0000000  }
0x3: {  	_ = 	snop  }
0x4: {  	_ = 	snop  }
0x5: {  	_ = 	snop  }
0x6: {  	_ = 	snop  }
0x7: {  	_ = 	snop  }
__scs_overlays_trampoline_lowered:
0x8: {  	[smem:$0x3FAD] =	sst s0  }
0x9: {  	[smem:$0x3FAE] =	sst s1  }
0xa: {  	[smem:$0x3FAF] =	sst s2  }
0xb: {  	[smem:$0x3FB0] =	sst s3  }
0xc: {  	[smem:$0x3FB1] =	sst s4  }
0xd: {  	[smem:$0x3FB2] =	sst s5  }
0xe: {  	[smem:$0x3FB3] =	sst s6  }
0xf: {  	[smem:$0x3FB4] =	sst s7  }
0x10: {  	[smem:$0x3FB5] =	sst s8  }
0x11: {  	[smem:$0x3FB6] =	sst s9;
	s0 =	simm.s32 @!p0 $0x0  }
0x12: {  	s1 =	sld [smem:$0x3F9C];
	s0 =	simm.s32 @p0 $0x1  }
0x13: {  	[smem:$0x3FB7] =	sst s0;
	s0 =	simm.s32 @!p1 $0x0  }
0x14: {  	s2 =	sld [smem:$0x3F9B];
	s0 =	simm.s32 @p1 $0x1  }
0x15: {  	[smem:$0x3FB8] =	sst s0;
	s0 =	simm.s32 @!p2 $0x0  }
0x16: {  	s3 =	sld [smem:$0x3FDB];
	s0 =	simm.s32 @p2 $0x1  }
0x17: {  	s4 =	simm.s32 $0x1BF5;
	[smem:$0x3FBA] =	sst s0  }
0x18: {  	s0 =	sld [smem:$0x3F9D];
	_ =	swait.ge [sflag:s4], $0x0  }
0x19: {  	s7 =	sld [smem:$0x3F9E]  }
0x1a: {  	s8 =	sadd.s32 $0xFFFFE003, lr  }
0x1b: {  	s9 =	sadd.s32 $0xFFFFFEF7, lr;
	s5 =	simm.s32 $0xFFFFFFFF;
	p2 =	slt.u32 s8, $0xFFFFF086  }
0x1c: {  	p1 =	slt.u32 s9, $0xF7A;
	s5 =	simm.s32 @!p2 $0x0  }
0x1d: {  	s5 =	simm.s32 @p1 $0x1;
	p0 =	seq.s32 s7, s2  }
0x1e: {  	s7 =	smul.u32 @!p0 $0xF7A, s2;
	p2 =	seq.s32 @!p0 s5, $0x0  }
0x1f: {  	s9 =	smul.u32 $0xF7A, s1;
	s8 =	simm.s32 @!p0 $0x1BF5;
	p2 =	por !p2, p0  }
0x20: {  	[sflag:s8] =	ssyncset.s32 @!p0 $0xFFFFF086;
	s6 =	sadd.s32 @!p0 s3, s7;
	s7 =	simm.s32 @!p0 $0x108  }
0x21: {  	s3 =	sadd.s32 s3, s9;
	s6 =	sadd.s32 @!p0 $0x88, s6;
	s7 =	simm.s32 @p2 $0x1082  }
0x22: {  	[simem:s7], [sflag:s8] =	dma.local @!p0 [hbm:s6], $0xF7A  }
0x23: {  	s9 =	sor.u32 $0xD0000000, s2;
	s6 =	simm.s32 $0x108;
	_ =	swait.ge @!p0 [sflag:s8], $0x0  }
0x24: {  	s3 =	sadd.s32 $0x88, s3;
	s6 =	simm.s32 @!p1 $0x1082;
	[sflag:s4] =	ssyncset.s32 $0xFFFFF086  }
0x25: {  	[simem:s6], [sflag:s4] =	dma.local [hbm:s3], $0xF7A  }
0x26: {  	[smem:$0x3F9E] =	sst s1;
	(tag) =	ssettag s2;
	_ =	strace s9  }
0x27: {  	s1 =	sld [smem:$0x3FAE]  }
0x28: {  	s2 =	sld [smem:$0x3FAF]  }
0x29: {  	s4 =	sld [smem:$0x3FB1]  }
0x2a: {  	p0 =	seq.s32 s5, $0x0;
	s5 =	sld [smem:$0x3FB2]  }
0x2b: {  	s6 =	sld [smem:$0x3FB3]  }
0x2c: {  	s7 =	sld [smem:$0x3FB4]  }
0x2d: {  	s3 =	simm.s32 $0x108;
	s8 =	sld [smem:$0x3FB5]  }
0x2e: {  	s3 =	simm.s32 @!p0 $0x1082;
	s9 =	sld [smem:$0x3FB6]  }
0x2f: {  	lr =	sadd.s32 s0, s3;
	s0 =	sld [smem:$0x3FAD]  }
0x30: {  	s3 =	sld [smem:$0x3FB0]  }
0x31: {  	[smem:$0x3FB9] =	sst s10  }
0x32: {  	s10 =	sld [smem:$0x3FB7];
	_ =	sdelay $0x3  }
0x33: {  	p0 =	seq.s32 s10, $0x1;
	s10 =	sld [smem:$0x3FB9];
	_ =	sdelay $0x3  }
0x34: {  	[smem:$0x3FB9] =	sst s10  }
0x35: {  	s10 =	sld [smem:$0x3FB8];
	_ =	sdelay $0x3  }
0x36: {  	p1 =	seq.s32 s10, $0x1;
	s10 =	sld [smem:$0x3FB9];
	_ =	sdelay $0x3  }
0x37: {  	[smem:$0x3FB9] =	sst s10  }
0x38: {  	s10 =	sld [smem:$0x3FBA]  }
0x39: {  	_ = 	snop;
	(pc) =	sbr.ind lr, $3  }
0x3a: {  	_ = 	snop  }
0x3b: {  	_ = 	snop  }
0x3c: {  	p2 =	seq.s32 s10, $0x1;
	s10 =	sld [smem:$0x3FB9]  }
0x3d: {  	_ =	shalt  }
0x3e: {  	_ =	shalt  }
0x3f: {  	_ =	shalt  }
0x40: {  	_ =	shalt  }
0x41: {  	_ =	shalt  }
0x42: {  	_ =	shalt  }
0x43: {  	_ =	shalt  }
0x44: {  	_ =	shalt  }
0x45: {  	_ =	shalt  }
0x46: {  	_ =	shalt  }
0x47: {  	_ =	shalt  }
0x48: {  	_ =	shalt  }
0x49: {  	_ =	shalt  }
0x4a: {  	_ =	shalt  }
0x4b: {  	_ =	shalt  }
0x4c: {  	_ =	shalt  }
0x4d: {  	_ =	shalt  }
0x4e: {  	_ =	shalt  }
0x4f: {  	_ =	shalt  }
0x50: {  	_ =	shalt  }
0x51: {  	_ =	shalt  }
0x52: {  	_ =	shalt  }
0x53: {  	_ =	shalt  }
0x54: {  	_ =	shalt  }
0x55: {  	_ =	shalt  }
0x56: {  	_ =	shalt  }
0x57: {  	_ =	shalt  }
0x58: {  	_ =	shalt  }
0x59: {  	_ =	shalt  }
0x5a: {  	_ =	shalt  }
0x5b: {  	_ =	shalt  }
0x5c: {  	_ =	shalt  }
0x5d: {  	_ =	shalt  }
0x5e: {  	_ =	shalt  }
0x5f: {  	_ =	shalt  }
0x60: {  	_ =	shalt  }
0x61: {  	_ =	shalt  }
0x62: {  	_ =	shalt  }
0x63: {  	_ =	shalt  }
0x64: {  	_ =	shalt  }
0x65: {  	_ =	shalt  }
0x66: {  	_ =	shalt  }
0x67: {  	_ =	shalt  }
0x68: {  	_ =	shalt  }
0x69: {  	_ =	shalt  }
0x6a: {  	_ =	shalt  }
0x6b: {  	_ =	shalt  }
0x6c: {  	_ =	shalt  }
0x6d: {  	_ =	shalt  }
0x6e: {  	_ =	shalt  }
0x6f: {  	_ =	shalt  }
0x70: {  	_ =	shalt  }
0x71: {  	_ =	shalt  }
0x72: {  	_ =	shalt  }
0x73: {  	_ =	shalt  }
0x74: {  	_ =	shalt  }
0x75: {  	_ =	shalt  }
0x76: {  	_ =	shalt  }
0x77: {  	_ =	shalt  }
0x78: {  	_ =	shalt  }
0x79: {  	_ =	shalt  }
0x7a: {  	_ =	shalt  }
0x7b: {  	_ =	shalt  }
0x7c: {  	_ =	shalt  }
0x7d: {  	_ =	shalt  }
0x7e: {  	_ =	shalt  }
0x7f: {  	_ =	shalt  }
0x80: {  	_ =	shalt  }
0x81: {  	_ =	shalt  }
0x82: {  	_ =	shalt  }
0x83: {  	_ =	shalt  }
0x84: {  	_ =	shalt  }
0x85: {  	_ =	shalt  }
0x86: {  	_ =	shalt  }
0x87: {  	_ =	shalt  }
.Lfunc_end0:
.L_simem_size_0:
called_computation_lowered:
.L_overlay_start_0:
0x88: {  	s2 =	sld [smem:$0x3FD9]  }
0x89: {  	s3 =	sld [smem:$0x3FFE];
	_ =	sdelay $0x1  }
0x8a: {  	s1 =	srdreg.scid  }
0x8b: {  	s0 =	sand.u32 $0x1, s1  }
0x8c: {  	s18 =	sshll.u32 s0, $0xA;
	s2 =	sadd.s32 s3, s2  }
0x8d: {  	s2 =	sadd.s32 s2, s18  }
0x8e: {  	[smem:$0x3FC5] =	sst s2  }
0x8f: {  	_ = 	snop  }
0x90: {  	s2 =	sld [smem:$0x3FC9]  }
0x91: {  	s19 =	sld [smem:$0x3FC8]  }
0x92: {  	s4 =	sld [smem:$0x3FC7]  }
0x93: {  	s5 =	sld [smem:$0x3FD0];
	(tm) =	ssettm $0x1  }
0x94: {  	s6 =	sld [smem:$0x3FFB];
	_ =	sdelay $0x3  }
0x95: {  	_ =	strace s6  }
0x96: {  	s6 =	sld [smem:$0x3FFC];
	_ =	sdelay $0x3  }
0x97: {  	_ =	strace s6  }
0x98: {  	s6 =	sld [smem:$0x3FFD];
	_ =	sdelay $0x3  }
0x99: {  	_ =	strace s6  }
0x9a: {  	_ =	strace $0x8FFFFFFF  }
0x9b: {  	s20 =	sld [smem:$0x3FDB];
	_ =	sdelay $0x1  }
0x9c: {  	s7 =	simm.s32 $_scs_section_size  }
0x9d: {  	s8 =	simm.s32 $_size__tile_overlayer_lowered;
	s9 =	simm.s32 $_tile_overlayer_lowered  }
0x9e: {  	s23 =	simm.s32 $0x1BFF;
	s22 =	sshll.u32 s9, $0x1;
	s6 =	sadd.s32 s7, s20  }
0x9f: {  	s10 =	simm.s32 $0x0;
	s21 =	sshll.u32 s8, $0x1;
	s8 =	sadd.s32 s22, s6  }
0xa0: {  	[timem:s10], [sflag:s23] =	dma.local [hbm:s8], s21  }
0xa1: {  	_ =	swait.ge [sflag:s23], s21  }
0xa2: {  	s7 =	ssub.s32 $0x0, s21;
	[sflag:s23] =	ssyncset.done $0x0  }
0xa3: {  	[sflag:s23] =	ssyncadd.s32 s7;
	_ =	sdelay $0x1  }
0xa4: {  	s24 =	simm.s32 $0x1B8B  }
0xa5: {  	_ =	swait.ge [sflag:s24], $0x1  }
0xa6: {  	[sflag:s24] =	ssyncset.done $0x0  }
0xa7: {  	s25 =	simm.s32 $0x1B8E;
	[sflag:s24] =	ssyncadd.s32 $0xFFFFFFFF  }
0xa8: {  	s26 =	simm.s32 $execute0_lowered;
	[smem:$0x3FD2] =	sst s25  }
0xa9: {  	s7 =	sshll.u32 s26, $0x1;
	_ =	strace $0x80000046;
	[dreg:$0x1] =	wrdreg $0xFFFFFFFF  }
0xaa: {  	s28 =	simm.s32 $_size_execute0_lowered;
	s6 =	sadd.s32 s6, s7;
	[dreg:$0x0] =	wrdreg $0x0  }
0xab: {  	s7 =	sshll.u32 s28, $0x1;
	[dreg:$0x2] =	wrdreg s6  }
0xac: {  	[dreg:$0x3] =	wrdreg s7  }
0xad: {  	[dreg:$0x4] =	wrdreg $0xC0  }
0xae: {  	_ =	task [dreg:s10], $0x5FFFF  }
0xaf: {  	[dreg:$0x1] =	wrdreg $0xFFFFFFFF  }
0xb0: {  	[dreg:$0x0] =	wrdreg $0x60  }
0xb1: {  	[dreg:$0x2] =	wrdreg s2  }
0xb2: {  	[dreg:$0x3] =	wrdreg s19  }
0xb3: {  	[dreg:$0x4] =	wrdreg s4  }
0xb4: {  	[dreg:$0x5] =	wrdreg s5  }
0xb5: {  	[dreg:$0x6] =	wrdreg $0xCB000  }
0xb6: {  	[dreg:$0x7] =	wrdreg $0x9  }
0xb7: {  	_ =	task.clear_ibuf [dreg:s10], $0x8FFFF;
	_ =	strace $0x90000046  }
0xb8: {  	s29 =	simm.s32 $0x9;
	_ =	strace $0x80000048  }
0xb9: {  	_ =	swait.ge [sflag:s29], $0x1  }
0xba: {  	[sflag:s29] =	ssyncadd.s32 $0xFFFFFFFF  }
0xbb: {  	_ =	strace $0x90000048  }
0xbc: {  	_ =	sfence  }
0xbd: {  	s30 =	sld [smem:$0x0];
	_ =	sdelay $0x2  }
0xbe: {  	s31 =	sshll.u32 s1, $0xD;
	s1 =	sshrl.u32 s1, $0x2  }
0xbf: {  	s3 =	sand.u32 $0x4000, s31;
	s1 =	sadd.s32 s1, s30  }
0xc0: {  	s0 =	sor.u32 s3, s0;
	s1 =	sshll.u32 s1, $0x11  }
0xc1: {  	s0 =	sor.u32 s1, s0  }
0xc2: {  	s0 =	sadd.s32 $0x8F2B, s0  }
0xc3: {  	[sflag:s0] =	ssyncadd.remote.s32 $0x1  }
0xc4: {  	_ =	sfence.sel $0xFFFF  }
0xc5: {  	[dreg:$0x0] =	wrdreg $0xFFFFFFFF;
	(pc) =	sbr.abs _section_cstart, $3  }
0xc6: {  	[dreg:$0x1] =	wrdreg $0xFFFFFFFF  }
0xc7: {  	_ =	task.clear_ibuf [dreg:s10], $0x2FFFF;
	_ =	strace $0x9FFFFFFF  }
0xc8: {  	(tm) =	ssettm $0x7FFFFFFF  }
0xc9: {  	_ =	shalt  }
tec
execute0_lowered:
.L_overlay_start_1:
0x0: {  	(tag) =	ssettag $0x1  }
0x1: {  	s0 =	rddreg [dreg:$0x0]  }
0x2: {  	s1 =	rddreg [dreg:$0x1]  }
0x3: {  	s3 =	rddreg [dreg:$0x3]  }
0x4: {  	s5 =	rddreg [dreg:$0x4]  }
0x5: {  	s4 =	srdreg.scid;
	s2 =	simm.s32 $0x0;
	s12 =	stileid.u32  }
0x6: {  	s31 =	simm.s32 $0x80;
	s30 =	simm.s32 $0x9;
	s4 =	sand.u32 $0x1, s4  }
0x7: {  	[smem:$0x7FF] =	sst s2;
	s21 =	sshll.u32 s12, $0x8;
	s8 =	sshll.u32 s12, $0xF  }
0x8: {  	s9 =	smul.u32 $0x4E20, s12;
	s14 =	sshll.u32 s12, $0x9;
	p0 =	sgt.u32 s12, $0xC  }
0x9: {  	s6 =	ssub.s32 $0x2, s4;
	_ =	strace $0x80000047;
	s10 =	sshll.u32 s4, $0x10  }
0xa: {  	s8 =	sand.u32 $0x60000, s8;
	s11 =	sshll.u32 s4, $0xA;
	s7 =	sshrl.u32 s6, $0x1  }
0xb: {  	s8 =	sor.u32 s10, s8;
	s22 =	sshrl.u32 s9, $0x3;
	s6 =	ssub.s32 s6, s7  }
0xc: {  	s7 =	sand.u32 $0x300, s21;
	s10 =	sor.u32 $0x8000, s8;
	s4 =	sadd.s32 s1, s22  }
0xd: {  	s23 =	sor.u32 s7, s8;
	s25 =	sor.u32 s7, s10;
	s7 =	sor.u32 $0x80, s7  }
0xe: {  	s9 =	sadd.s32 $0x4E2, s4;
	s24 =	sshrl.u32 s23, $0x3;
	s26 =	sshrl.u32 s25, $0x3  }
0xf: {  	[dreg:$0x8] =	wrdreg s9;
	s9 =	sadd.s32 s14, s5;
	s1 =	sadd.s32 s0, s24  }
0x10: {  	s13 =	sor.u32 s7, s8;
	s16 =	sadd.s32 $0x1A00, s9;
	[dreg:$0x6] =	wrdreg s1  }
0x11: {  	s7 =	sor.u32 s7, s10;
	s17 =	sadd.s32 $0x3400, s9;
	[dreg:$0xb] =	wrdreg s16  }
0x12: {  	s23 =	smul.u32 $0x6800, s12;
	s18 =	sadd.s32 $0x4E00, s9;
	[dreg:$0xc] =	wrdreg s17  }
0x13: {  	s8 =	simm.s32 $0x6;
	s19 =	sadd.s32 $0x6800, s9;
	[dreg:$0xd] =	wrdreg s18  }
0x14: {  	s10 =	simm.s32 $0x7;
	s20 =	sadd.s32 $0x8200, s9;
	[dreg:$0xe] =	wrdreg s19  }
0x15: {  	s14 =	simm.s32 $0x0;
	s21 =	sadd.s32 $0x9C00, s9;
	[dreg:$0xf] =	wrdreg s20  }
0x16: {  	s15 =	sshrl.u32 s7, $0x3;
	s22 =	sadd.s32 $0xB600, s9;
	[dreg:$0x10] =	wrdreg s21  }
0x17: {  	s24 =	sadd.s32 $0xD000, s9;
	s25 =	sadd.s32 $0xEA00, s9;
	[dreg:$0x11] =	wrdreg s22  }
0x18: {  	s28 =	sadd.s32 $0x16C00, s9;
	s29 =	sadd.s32 $0x18600, s9;
	[dreg:$0x12] =	wrdreg s24  }
0x19: {  	s7 =	simm.s32 $0x5;
	s1 =	sadd.s32 s0, s26;
	[dreg:$0x13] =	wrdreg s25  }
0x1a: {  	s26 =	sshll.u32 s12, $0x6;
	s20 =	sadd.s32 $0x10400, s9;
	s22 =	sadd.s32 $0x11E00, s9  }
0x1b: {  	s24 =	sadd.s32 $0x13800, s9;
	[dreg:$0x7] =	wrdreg s1;
	s1 =	sshrl.u32 s13, $0x3  }
0x1c: {  	s25 =	smax.u32 s6, $0x1;
	s6 =	simm.s32 $0x2;
	s1 =	sadd.s32 s0, s1  }
0x1d: {  	s12 =	simm.s32 $0xC880;
	s0 =	sadd.s32 s0, s15;
	[dreg:$0x9] =	wrdreg s1  }
0x1e: {  	s13 =	simm.s32 $0xA;
	[dreg:$0xa] =	wrdreg s0;
	s1 =	sadd.s32 s3, s26  }
0x1f: {  	s0 =	sshrl.u32 s23, $0x2;
	s26 =	sadd.s32 $0x15200, s9;
	s3 =	simm.s32 $0x1  }
0x20: {  	s21 =	sadd.s32 s0, s5;
	s23 =	sadd.s32 s11, s1;
	s0 =	simm.s32 $0x400  }
0x21: {  	vm0 =	vmmov $0x1;
	s1 =	simm.s32 $0x3;
	s5 =	simm.s32 $0x4;
	s11 =	simm.s32 $0x8  }
.LBB2_1:
.Ltmp0:
0x22: {  	(pc) =	sbr.rel @p0 .LBB2_11-.Ltmp0, $3  }
0x23: {  	_ =	sdelay $0x1  }
0x24: {  	s15 =	rddreg [dreg:$0x2];
	s16 =	simm.s32 $0xCA80  }
0x25: {  	[tilespmem:s16], [sflag:$0x9] =	stream.linear.gather [hbm4b:s15+s2], $0x1, $0x38;
	[tilespmem:$0xE500] =	vst v63  }
0x26: {  	[tilespmem:s2], [sflag:$0x1] =	stream.linear.gather [hbm4b:s4+s2], $0x2710, $0x38;
	[tilespmem:$0xE500] =	vst v63  }
0x27: {  	s15 =	rddreg [dreg:$0x6];
	s16 =	simm.s32 $0x4E80  }
0x28: {  	[tilespmem:s16], [sflag:$0x3] =	stream.strided.gather [hbm4b:s15+s31], $0x1000, s0, s31, $0x38;
	[tilespmem:$0xE500] =	vst v63  }
0x29: {  	s18 =	rddreg [dreg:$0x7];
	s19 =	simm.s32 $0x5E80  }
0x2a: {  	[tilespmem:s19], [sflag:$0x4] =	stream.strided.gather [hbm4b:s18+s31], $0x1000, s0, s31, $0x38;
	[tilespmem:$0xE500] =	vst v63  }
0x2b: {  	s17 =	simm.s32 $0x2710;
	s16 =	rddreg [dreg:$0x8]  }
0x2c: {  	[tilespmem:s17], [sflag:$0x2] =	stream.linear.gather [hbm4b:s16+s2], $0x2710, $0x38;
	[tilespmem:$0xE500] =	vst v63  }
0x2d: {  	s18 =	rddreg [dreg:$0x9];
	s19 =	simm.s32 $0x6E80  }
0x2e: {  	[tilespmem:s19], [sflag:$0x5] =	stream.strided.gather [hbm4b:s18+s31], $0x1000, s0, s31, $0x38;
	[tilespmem:$0xE500] =	vst v63  }
0x2f: {  	s16 =	rddreg [dreg:$0xa];
	s17 =	simm.s32 $0x7E80  }
0x30: {  	[tilespmem:s17], [sflag:$0x6] =	stream.strided.gather [hbm4b:s16+s31], $0x1000, s0, s31, $0x38;
	[tilespmem:$0xE500] =	vst v63  }
0x31: {  	_ =	swait.ge [sflag:s3], $0x2710  }
0x32: {  	[sflag:s3] =	ssyncset.done $0x0  }
0x33: {  	[sflag:s3] =	ssyncadd.s32 $0xFFFFD8F0  }
0x34: {  	_ =	swait.ge [sflag:s1], $0x1000  }
0x35: {  	[sflag:s1] =	ssyncset.done $0x0  }
0x36: {  	s18 =	simm.s32 $0x4EA0;
	[sflag:s1] =	ssyncadd.s32 $0xFFFFF000  }
0x37: {  	v0 =	vld [tilespmem:s18+$0x10];
	_ =	sdelay $0x1  }
0x38: {  	v2 =	vld [tilespmem:s18+$0xFFFFFFE0]  }
0x39: {  	v3 =	vld [tilespmem:s18+$0xFFFFFFF0]  }
0x3a: {  	s19 =	simm.s32 $0x4EE0;
	v4 =	vld [tilespmem:s18+$0x0]  }
0x3b: {  	v7 =	vld [tilespmem:s19+$0x10]  }
0x3c: {  	v1 =	vld [tilespmem:s19+$0xFFFFFFF0]  }
0x3d: {  	v6 =	vld [tilespmem:s19+$0xFFFFFFE0]  }
0x3e: {  	v8 =	vld.idx.msk [tilespmem:v0+s2+$0x0], $0xffff  }
0x3f: {  	v0 =	vld [tilespmem:s19+$0x0]  }
0x40: {  	v5 =	vld.idx.msk [tilespmem:v2+s2+$0x0], $0xffff  }
0x41: {  	v2 =	vld.idx.msk [tilespmem:v3+s2+$0x0], $0xffff  }
0x42: {  	s15 =	simm.s32 $0x8EA0;
	v3 =	vld.idx.msk [tilespmem:v4+s2+$0x0], $0xffff  }
0x43: {  	s16 =	simm.s32 $0x40;
	s17 =	simm.s32 $0x4F20;
	v4 =	vld.idx.msk [tilespmem:v7+s2+$0x0], $0xffff;
	[tilespmem:s15+$0x10] =	vst v8  }
.LBB2_3:
0x44: {  	v7 =	vld [tilespmem:s17+$0x10];
	s16 =	sadd.s32 $0x40, s16  }
0x45: {  	v8 =	vld [tilespmem:s17+$0xFFFFFFF0];
	p1 =	slt.u32 s16, $0xFC0;
	[tilespmem:s15+$0xFFFFFFE0] =	vst v5  }
0x46: {  	v9 =	vld [tilespmem:s17+$0x0];
	[tilespmem:s15+$0xFFFFFFF0] =	vst v2  }
0x47: {  	v10 =	vld [tilespmem:s17+$0xFFFFFFE0];
	[tilespmem:s15+$0x0] =	vst v3  }
.Ltmp1:
0x48: {  	s15 =	sadd.s32 $0x40, s15;
	v5 =	vld.idx.msk [tilespmem:v6+s2+$0x0], $0xffff;
	(pc) =	sbr.rel @p1 .LBB2_3-.Ltmp1, $4  }
0x49: {  	v2 =	vld.idx.msk [tilespmem:v1+s2+$0x0], $0xffff;
	[tilespmem:s15+$0x10] =	vst v4  }
0x4a: {  	v3 =	vld.idx.msk [tilespmem:v0+s2+$0x0], $0xffff;
	v1 =	vmov v8  }
0x4b: {  	v0 =	vmov v9  }
0x4c: {  	s17 =	sadd.s32 $0x40, s17;
	v4 =	vld.idx.msk [tilespmem:v7+s2+$0x0], $0xffff;
	v6 =	vmov v10  }
0x4d: {  	_ =	sdelay $0x3  }
0x4e: {  	v6 =	vld.idx.msk [tilespmem:v6+s2+$0x0], $0xffff  }
0x4f: {  	[tilespmem:s15+$0xFFFFFFE0] =	vst v5;
	v1 =	vld.idx.msk [tilespmem:v1+s2+$0x0], $0xffff  }
0x50: {  	v0 =	vld.idx.msk [tilespmem:v0+s2+$0x0], $0xffff;
	[tilespmem:s15+$0xFFFFFFF0] =	vst v2  }
0x51: {  	s17 =	sadd.s32 $0x40, s15;
	[tilespmem:s15+$0x0] =	vst v3  }
0x52: {  	[tilespmem:s17+$0x10] =	vst v4  }
0x53: {  	[tilespmem:s17+$0xFFFFFFE0] =	vst v6  }
0x54: {  	[tilespmem:s17+$0xFFFFFFF0] =	vst v1  }
0x55: {  	[tilespmem:s17+$0x0] =	vst v0  }
0x56: {  	_ =	swait.ge [sflag:s5], $0x1000  }
0x57: {  	[sflag:s5] =	ssyncset.done $0x0  }
0x58: {  	s18 =	simm.s32 $0x5EB0;
	[sflag:s5] =	ssyncadd.s32 $0xFFFFF000  }
0x59: {  	v0 =	vld [tilespmem:s18+$0x0];
	_ =	sdelay $0x1  }
0x5a: {  	v2 =	vld [tilespmem:s18+$0xFFFFFFD0]  }
0x5b: {  	v3 =	vld [tilespmem:s18+$0xFFFFFFE0]  }
0x5c: {  	s19 =	simm.s32 $0x5EF0;
	v4 =	vld [tilespmem:s18+$0xFFFFFFF0]  }
0x5d: {  	v7 =	vld [tilespmem:s19+$0x0]  }
0x5e: {  	v1 =	vld [tilespmem:s19+$0xFFFFFFE0]  }
0x5f: {  	v6 =	vld [tilespmem:s19+$0xFFFFFFD0]  }
0x60: {  	v8 =	vld.idx.msk [tilespmem:v0+s2+$0x0], $0xffff  }
0x61: {  	v0 =	vld [tilespmem:s19+$0xFFFFFFF0]  }
0x62: {  	v5 =	vld.idx.msk [tilespmem:v2+s2+$0x0], $0xffff  }
0x63: {  	v2 =	vld.idx.msk [tilespmem:v3+s2+$0x0], $0xffff  }
0x64: {  	s15 =	simm.s32 $0x9EB0;
	v3 =	vld.idx.msk [tilespmem:v4+s2+$0x0], $0xffff  }
0x65: {  	s16 =	simm.s32 $0x1040;
	s17 =	simm.s32 $0x5F30;
	v4 =	vld.idx.msk [tilespmem:v7+s2+$0x0], $0xffff;
	[tilespmem:s15+$0x0] =	vst v8  }
.LBB2_5:
0x66: {  	v7 =	vld [tilespmem:s17+$0x0];
	s16 =	sadd.s32 $0x40, s16  }
0x67: {  	v8 =	vld [tilespmem:s17+$0xFFFFFFE0];
	p1 =	slt.u32 s16, $0x1FC0;
	[tilespmem:s15+$0xFFFFFFD0] =	vst v5  }
0x68: {  	v9 =	vld [tilespmem:s17+$0xFFFFFFF0];
	[tilespmem:s15+$0xFFFFFFE0] =	vst v2  }
0x69: {  	v10 =	vld [tilespmem:s17+$0xFFFFFFD0];
	[tilespmem:s15+$0xFFFFFFF0] =	vst v3  }
.Ltmp2:
0x6a: {  	s15 =	sadd.s32 $0x40, s15;
	v5 =	vld.idx.msk [tilespmem:v6+s2+$0x0], $0xffff;
	(pc) =	sbr.rel @p1 .LBB2_5-.Ltmp2, $4  }
0x6b: {  	v2 =	vld.idx.msk [tilespmem:v1+s2+$0x0], $0xffff;
	[tilespmem:s15+$0x0] =	vst v4  }
0x6c: {  	v3 =	vld.idx.msk [tilespmem:v0+s2+$0x0], $0xffff;
	v1 =	vmov v8  }
0x6d: {  	v0 =	vmov v9  }
0x6e: {  	s17 =	sadd.s32 $0x40, s17;
	v4 =	vld.idx.msk [tilespmem:v7+s2+$0x0], $0xffff;
	v6 =	vmov v10  }
0x6f: {  	_ =	sdelay $0x3  }
0x70: {  	v6 =	vld.idx.msk [tilespmem:v6+s2+$0x0], $0xffff  }
0x71: {  	[tilespmem:s15+$0xFFFFFFD0] =	vst v5;
	v1 =	vld.idx.msk [tilespmem:v1+s2+$0x0], $0xffff  }
0x72: {  	v0 =	vld.idx.msk [tilespmem:v0+s2+$0x0], $0xffff;
	[tilespmem:s15+$0xFFFFFFE0] =	vst v2  }
0x73: {  	s18 =	sadd.s32 $0x40, s15;
	[tilespmem:s15+$0xFFFFFFF0] =	vst v3  }
0x74: {  	[tilespmem:s18+$0x0] =	vst v4  }
0x75: {  	[tilespmem:s18+$0xFFFFFFD0] =	vst v6  }
0x76: {  	[tilespmem:s18+$0xFFFFFFE0] =	vst v1  }
0x77: {  	[tilespmem:s18+$0xFFFFFFF0] =	vst v0  }
0x78: {  	_ =	swait.ge [sflag:s6], $0x2710  }
0x79: {  	[sflag:s6] =	ssyncset.done $0x0  }
0x7a: {  	[sflag:s6] =	ssyncadd.s32 $0xFFFFD8F0  }
0x7b: {  	_ =	swait.ge [sflag:s7], $0x1000  }
0x7c: {  	[sflag:s7] =	ssyncset.done $0x0  }
0x7d: {  	s19 =	simm.s32 $0x6EA0;
	[sflag:s7] =	ssyncadd.s32 $0xFFFFF000  }
0x7e: {  	v0 =	vld [tilespmem:s19+$0x10];
	_ =	sdelay $0x2  }
0x7f: {  	v1 =	vld [tilespmem:s19+$0xFFFFFFE0]  }
0x80: {  	v2 =	vld [tilespmem:s19+$0xFFFFFFF0]  }
0x81: {  	s15 =	simm.s32 $0x8EA0;
	v3 =	vld [tilespmem:s19+$0x0];
	v0 =	vadd.s32 $0x2710, v0  }
0x82: {  	s16 =	simm.s32 $0x6EE0;
	v5 =	vld [tilespmem:s15+$0x10]  }
0x83: {  	v6 =	vld [tilespmem:s16+$0x10]  }
0x84: {  	v9 =	vld [tilespmem:s16+$0xFFFFFFF0]  }
0x85: {  	v10 =	vld [tilespmem:s16+$0x0]  }
0x86: {  	v4 =	vld.idx.msk [tilespmem:v0+s2+$0x0], $0xffff;
	v0 =	vadd.s32 $0x2710, v1  }
0x87: {  	v11 =	vld [tilespmem:s16+$0xFFFFFFE0];
	v2 =	vadd.s32 $0x2710, v2  }
0x88: {  	v8 =	vld [tilespmem:s15+$0xFFFFFFE0];
	v3 =	vadd.s32 $0x2710, v3  }
0x89: {  	v7 =	vld [tilespmem:s15+$0xFFFFFFF0];
	v12 =	vadd.s32 $0x2710, v6  }
0x8a: {  	v6 =	vld [tilespmem:s15+$0x0]  }
0x8b: {  	v1 =	vld.idx.msk [tilespmem:v0+s2+$0x0], $0xffff  }
0x8c: {  	v2 =	vld.idx.msk [tilespmem:v2+s2+$0x0], $0xffff  }
0x8d: {  	v0 =	vld.idx.msk [tilespmem:v3+s2+$0x0], $0xffff;
	v4 =	vadd.f32 v4, v5  }
0x8e: {  	s16 =	simm.s32 $0x8EE0;
	v5 =	vld.idx.msk [tilespmem:v12+s2+$0x0], $0xffff  }
0x8f: {  	s17 =	simm.s32 $0x40;
	s18 =	simm.s32 $0x6F20;
	v3 =	vadd.s32 $0x2710, v9;
	v9 =	vld [tilespmem:s16+$0x10];
	[tilespmem:s15+$0x10] =	vst v4;
	v4 =	vadd.s32 $0x2710, v10;
	v10 =	vadd.s32 $0x2710, v11  }
.LBB2_7:
0x90: {  	v11 =	vld [tilespmem:s18+$0x10];
	s17 =	sadd.s32 $0x40, s17;
	v1 =	vadd.f32 v1, v8  }
0x91: {  	v8 =	vld [tilespmem:s18+$0xFFFFFFF0];
	p1 =	slt.u32 s17, $0xFC0;
	v2 =	vadd.f32 v2, v7  }
0x92: {  	v7 =	vld [tilespmem:s18+$0x0];
	[tilespmem:s15+$0xFFFFFFE0] =	vst v1;
	v0 =	vadd.f32 v0, v6  }
0x93: {  	v6 =	vld [tilespmem:s18+$0xFFFFFFE0];
	[tilespmem:s15+$0xFFFFFFF0] =	vst v2  }
0x94: {  	v1 =	vld.idx.msk [tilespmem:v10+s2+$0x0], $0xffff;
	v5 =	vadd.f32 v5, v9;
	[tilespmem:s15+$0x0] =	vst v0;
	s15 =	smov.u32 s16  }
0x95: {  	v9 =	vadd.s32 $0x2710, v11;
	v2 =	vld.idx.msk [tilespmem:v3+s2+$0x0], $0xffff  }
0x96: {  	v3 =	vadd.s32 $0x2710, v8;
	v0 =	vld.idx.msk [tilespmem:v4+s2+$0x0], $0xffff;
	[tilespmem:s16+$0x10] =	vst v5  }
.Ltmp3:
0x97: {  	v4 =	vadd.s32 $0x2710, v7;
	v8 =	vld [tilespmem:s16+$0xFFFFFFE0];
	(pc) =	sbr.rel @p1 .LBB2_7-.Ltmp3, $4  }
0x98: {  	v10 =	vadd.s32 $0x2710, v6;
	v7 =	vld [tilespmem:s16+$0xFFFFFFF0]  }
0x99: {  	v6 =	vld [tilespmem:s16+$0x0]  }
0x9a: {  	s16 =	sadd.s32 $0x40, s16;
	v5 =	vld.idx.msk [tilespmem:v9+s2+$0x0], $0xffff  }
0x9b: {  	s18 =	sadd.s32 $0x40, s18;
	v9 =	vld [tilespmem:s16+$0x10]  }
0x9c: {  	_ =	sdelay $0x3  }
0x9d: {  	v10 =	vld.idx.msk [tilespmem:v10+s2+$0x0], $0xffff  }
0x9e: {  	v3 =	vld.idx.msk [tilespmem:v3+s2+$0x0], $0xffff  }
0x9f: {  	v4 =	vld.idx.msk [tilespmem:v4+s2+$0x0], $0xffff  }
0xa0: {  	v11 =	vld [tilespmem:s16+$0xFFFFFFE0]  }
0xa1: {  	v1 =	vadd.f32 v1, v8;
	v8 =	vld [tilespmem:s16+$0xFFFFFFF0]  }
0xa2: {  	v2 =	vadd.f32 v2, v7;
	v7 =	vld [tilespmem:s16+$0x0]  }
0xa3: {  	[tilespmem:s15+$0xFFFFFFE0] =	vst v1;
	v0 =	vadd.f32 v0, v6  }
0xa4: {  	[tilespmem:s15+$0xFFFFFFF0] =	vst v2;
	v1 =	vadd.f32 v5, v9  }
0xa5: {  	[tilespmem:s15+$0x0] =	vst v0;
	v0 =	vadd.f32 v10, v11  }
0xa6: {  	[tilespmem:s16+$0x10] =	vst v1;
	v1 =	vadd.f32 v3, v8  }
0xa7: {  	[tilespmem:s16+$0xFFFFFFE0] =	vst v0;
	v0 =	vadd.f32 v4, v7  }
0xa8: {  	[tilespmem:s16+$0xFFFFFFF0] =	vst v1  }
0xa9: {  	s19 =	simm.s32 $0x8E80;
	[tilespmem:s16+$0x0] =	vst v0  }
0xaa: {  	[spmem:s9] =	stream.linear.scatter [tilespmem:s19], [sflag:$0x7], $0x200, $0x38;
	[tilespmem:$0xE500] =	vst v63  }
0xab: {  	s17 =	simm.s32 $0x9080;
	s16 =	rddreg [dreg:$0xb]  }
0xac: {  	[spmem:s16] =	stream.linear.scatter [tilespmem:s17], [sflag:$0x7], $0x200, $0x38;
	[tilespmem:$0xE500] =	vst v63  }
0xad: {  	s18 =	rddreg [dreg:$0xc];
	s19 =	simm.s32 $0x9280  }
0xae: {  	[spmem:s18] =	stream.linear.scatter [tilespmem:s19], [sflag:$0x7], $0x200, $0x38;
	[tilespmem:$0xE500] =	vst v63  }
0xaf: {  	s16 =	rddreg [dreg:$0xd];
	s17 =	simm.s32 $0x9480  }
0xb0: {  	[spmem:s16] =	stream.linear.scatter [tilespmem:s17], [sflag:$0x7], $0x200, $0x38;
	[tilespmem:$0xE500] =	vst v63  }
0xb1: {  	s18 =	rddreg [dreg:$0xe];
	s19 =	simm.s32 $0x9680  }
0xb2: {  	[spmem:s18] =	stream.linear.scatter [tilespmem:s19], [sflag:$0x7], $0x200, $0x38;
	[tilespmem:$0xE500] =	vst v63  }
0xb3: {  	s16 =	rddreg [dreg:$0xf];
	s17 =	simm.s32 $0x9880  }
0xb4: {  	[spmem:s16] =	stream.linear.scatter [tilespmem:s17], [sflag:$0x7], $0x200, $0x38;
	[tilespmem:$0xE500] =	vst v63  }
0xb5: {  	s18 =	rddreg [dreg:$0x10];
	s19 =	simm.s32 $0x9A80  }
0xb6: {  	[spmem:s18] =	stream.linear.scatter [tilespmem:s19], [sflag:$0x7], $0x200, $0x38;
	[tilespmem:$0xE500] =	vst v63  }
0xb7: {  	s16 =	rddreg [dreg:$0x11];
	s17 =	simm.s32 $0x9C80  }
0xb8: {  	[spmem:s16] =	stream.linear.scatter [tilespmem:s17], [sflag:$0x7], $0x200, $0x38;
	[tilespmem:$0xE500] =	vst v63  }
0xb9: {  	_ =	swait.ge [sflag:s8], $0x1000  }
0xba: {  	[sflag:s8] =	ssyncset.done $0x0  }
0xbb: {  	s18 =	simm.s32 $0x7EB0;
	[sflag:s8] =	ssyncadd.s32 $0xFFFFF000  }
0xbc: {  	v0 =	vld [tilespmem:s18+$0x0];
	_ =	sdelay $0x2  }
0xbd: {  	v1 =	vld [tilespmem:s18+$0xFFFFFFD0]  }
0xbe: {  	v2 =	vld [tilespmem:s18+$0xFFFFFFE0]  }
0xbf: {  	s15 =	simm.s32 $0x9EB0;
	v3 =	vld [tilespmem:s18+$0xFFFFFFF0];
	v0 =	vadd.s32 $0x2710, v0  }
0xc0: {  	s19 =	simm.s32 $0x7EF0;
	v5 =	vld [tilespmem:s15+$0x0]  }
0xc1: {  	v6 =	vld [tilespmem:s19+$0x0]  }
0xc2: {  	v9 =	vld [tilespmem:s19+$0xFFFFFFE0]  }
0xc3: {  	v10 =	vld [tilespmem:s19+$0xFFFFFFF0]  }
0xc4: {  	v4 =	vld.idx.msk [tilespmem:v0+s2+$0x0], $0xffff;
	v0 =	vadd.s32 $0x2710, v1  }
0xc5: {  	v11 =	vld [tilespmem:s19+$0xFFFFFFD0];
	v2 =	vadd.s32 $0x2710, v2  }
0xc6: {  	v8 =	vld [tilespmem:s15+$0xFFFFFFD0];
	v3 =	vadd.s32 $0x2710, v3  }
0xc7: {  	v7 =	vld [tilespmem:s15+$0xFFFFFFE0];
	v12 =	vadd.s32 $0x2710, v6  }
0xc8: {  	v6 =	vld [tilespmem:s15+$0xFFFFFFF0]  }
0xc9: {  	v1 =	vld.idx.msk [tilespmem:v0+s2+$0x0], $0xffff  }
0xca: {  	v2 =	vld.idx.msk [tilespmem:v2+s2+$0x0], $0xffff  }
0xcb: {  	v0 =	vld.idx.msk [tilespmem:v3+s2+$0x0], $0xffff;
	v4 =	vadd.f32 v4, v5  }
0xcc: {  	s16 =	simm.s32 $0x9EF0;
	v5 =	vld.idx.msk [tilespmem:v12+s2+$0x0], $0xffff  }
0xcd: {  	s17 =	simm.s32 $0x1040;
	s18 =	simm.s32 $0x7F30;
	v3 =	vadd.s32 $0x2710, v9;
	v9 =	vld [tilespmem:s16+$0x0];
	[tilespmem:s15+$0x0] =	vst v4;
	v4 =	vadd.s32 $0x2710, v10;
	v10 =	vadd.s32 $0x2710, v11  }
.LBB2_9:
0xce: {  	v11 =	vld [tilespmem:s18+$0x0];
	s17 =	sadd.s32 $0x40, s17;
	v1 =	vadd.f32 v1, v8  }
0xcf: {  	v8 =	vld [tilespmem:s18+$0xFFFFFFE0];
	p1 =	slt.u32 s17, $0x1FC0;
	v2 =	vadd.f32 v2, v7  }
0xd0: {  	v7 =	vld [tilespmem:s18+$0xFFFFFFF0];
	[tilespmem:s15+$0xFFFFFFD0] =	vst v1;
	v0 =	vadd.f32 v0, v6  }
0xd1: {  	v6 =	vld [tilespmem:s18+$0xFFFFFFD0];
	[tilespmem:s15+$0xFFFFFFE0] =	vst v2  }
0xd2: {  	v1 =	vld.idx.msk [tilespmem:v10+s2+$0x0], $0xffff;
	v5 =	vadd.f32 v5, v9;
	[tilespmem:s15+$0xFFFFFFF0] =	vst v0;
	s15 =	smov.u32 s16  }
0xd3: {  	v9 =	vadd.s32 $0x2710, v11;
	v2 =	vld.idx.msk [tilespmem:v3+s2+$0x0], $0xffff  }
0xd4: {  	v3 =	vadd.s32 $0x2710, v8;
	v0 =	vld.idx.msk [tilespmem:v4+s2+$0x0], $0xffff;
	[tilespmem:s16+$0x0] =	vst v5  }
.Ltmp4:
0xd5: {  	v4 =	vadd.s32 $0x2710, v7;
	v8 =	vld [tilespmem:s16+$0xFFFFFFD0];
	(pc) =	sbr.rel @p1 .LBB2_9-.Ltmp4, $4  }
0xd6: {  	v10 =	vadd.s32 $0x2710, v6;
	v7 =	vld [tilespmem:s16+$0xFFFFFFE0]  }
0xd7: {  	v6 =	vld [tilespmem:s16+$0xFFFFFFF0]  }
0xd8: {  	s16 =	sadd.s32 $0x40, s16;
	v5 =	vld.idx.msk [tilespmem:v9+s2+$0x0], $0xffff  }
0xd9: {  	s18 =	sadd.s32 $0x40, s18;
	v9 =	vld [tilespmem:s16+$0x0]  }
0xda: {  	_ =	sdelay $0x3  }
0xdb: {  	v10 =	vld.idx.msk [tilespmem:v10+s2+$0x0], $0xffff  }
0xdc: {  	v3 =	vld.idx.msk [tilespmem:v3+s2+$0x0], $0xffff  }
0xdd: {  	v4 =	vld.idx.msk [tilespmem:v4+s2+$0x0], $0xffff  }
0xde: {  	v11 =	vld [tilespmem:s16+$0xFFFFFFD0]  }
0xdf: {  	v1 =	vadd.f32 v1, v8;
	v58 =	vld [tilespmem:s16+$0xFFFFFFE0]  }
0xe0: {  	v59 =	vld [tilespmem:s16+$0xFFFFFFF0];
	v2 =	vadd.f32 v2, v7  }
0xe1: {  	[tilespmem:s15+$0xFFFFFFD0] =	vst v1;
	v0 =	vadd.f32 v0, v6  }
0xe2: {  	[tilespmem:s15+$0xFFFFFFE0] =	vst v2;
	v60 =	vadd.f32 v5, v9  }
0xe3: {  	[tilespmem:s15+$0xFFFFFFF0] =	vst v0;
	v61 =	vadd.f32 v10, v11  }
0xe4: {  	v62 =	vadd.f32 v3, v58;
	[tilespmem:s16+$0x0] =	vst v60  }
0xe5: {  	v63 =	vadd.f32 v4, v59;
	[tilespmem:s16+$0xFFFFFFD0] =	vst v61  }
0xe6: {  	[tilespmem:s16+$0xFFFFFFE0] =	vst v62  }
0xe7: {  	[tilespmem:s16+$0xFFFFFFF0] =	vst v63  }
0xe8: {  	s19 =	simm.s32 $0x9E80;
	s15 =	rddreg [dreg:$0x12]  }
0xe9: {  	[spmem:s15] =	stream.linear.scatter [tilespmem:s19], [sflag:$0x7], $0x200, $0x38;
	[tilespmem:$0xE500] =	vst v63  }
0xea: {  	s17 =	simm.s32 $0xA080;
	s16 =	rddreg [dreg:$0x13]  }
0xeb: {  	[spmem:s16] =	stream.linear.scatter [tilespmem:s17], [sflag:$0x7], $0x200, $0x38;
	[tilespmem:$0xE500] =	vst v63  }
0xec: {  	s18 =	simm.s32 $0xA280  }
0xed: {  	[spmem:s20] =	stream.linear.scatter [tilespmem:s18], [sflag:$0x7], $0x200, $0x38;
	[tilespmem:$0xE500] =	vst v63  }
0xee: {  	s19 =	simm.s32 $0xA480  }
0xef: {  	[spmem:s22] =	stream.linear.scatter [tilespmem:s19], [sflag:$0x7], $0x200, $0x38;
	[tilespmem:$0xE500] =	vst v63  }
0xf0: {  	s16 =	simm.s32 $0xA680  }
0xf1: {  	[spmem:s24] =	stream.linear.scatter [tilespmem:s16], [sflag:$0x7], $0x200, $0x38;
	[tilespmem:$0xE500] =	vst v63  }
0xf2: {  	s17 =	simm.s32 $0xA880  }
0xf3: {  	[spmem:s26] =	stream.linear.scatter [tilespmem:s17], [sflag:$0x7], $0x200, $0x38;
	[tilespmem:$0xE500] =	vst v63  }
0xf4: {  	s18 =	simm.s32 $0xAA80  }
0xf5: {  	[spmem:s28] =	stream.linear.scatter [tilespmem:s18], [sflag:$0x7], $0x200, $0x38;
	[tilespmem:$0xE500] =	vst v63  }
0xf6: {  	s19 =	simm.s32 $0xAC80  }
0xf7: {  	[spmem:s29] =	stream.linear.scatter [tilespmem:s19], [sflag:$0x7], $0x200, $0x38;
	[tilespmem:$0xE500] =	vst v63  }
0xf8: {  	_ =	swait.ge [sflag:s10], $0x200  }
0xf9: {  	[sflag:s10] =	ssyncset.done $0x0  }
0xfa: {  	[sflag:s10] =	ssyncadd.s32 $0xFFFFFE00  }
0xfb: {  	_ =	swait.ge [sflag:s10], $0x200  }
0xfc: {  	[sflag:s10] =	ssyncset.done $0x0  }
0xfd: {  	[sflag:s10] =	ssyncadd.s32 $0xFFFFFE00  }
0xfe: {  	_ =	swait.ge [sflag:s10], $0x200  }
0xff: {  	[sflag:s10] =	ssyncset.done $0x0  }
0x100: {  	[sflag:s10] =	ssyncadd.s32 $0xFFFFFE00  }
0x101: {  	_ =	swait.ge [sflag:s10], $0x200  }
0x102: {  	[sflag:s10] =	ssyncset.done $0x0  }
0x103: {  	[sflag:s10] =	ssyncadd.s32 $0xFFFFFE00  }
0x104: {  	_ =	swait.ge [sflag:s10], $0x200  }
0x105: {  	[sflag:s10] =	ssyncset.done $0x0  }
0x106: {  	[sflag:s10] =	ssyncadd.s32 $0xFFFFFE00  }
0x107: {  	_ =	swait.ge [sflag:s10], $0x200  }
0x108: {  	[sflag:s10] =	ssyncset.done $0x0  }
0x109: {  	[sflag:s10] =	ssyncadd.s32 $0xFFFFFE00  }
0x10a: {  	_ =	swait.ge [sflag:s10], $0x200  }
0x10b: {  	[sflag:s10] =	ssyncset.done $0x0  }
0x10c: {  	[sflag:s10] =	ssyncadd.s32 $0xFFFFFE00  }
0x10d: {  	_ =	swait.ge [sflag:s10], $0x200  }
0x10e: {  	[sflag:s10] =	ssyncset.done $0x0  }
0x10f: {  	[sflag:s10] =	ssyncadd.s32 $0xFFFFFE00  }
0x110: {  	_ =	swait.ge [sflag:s10], $0x200  }
0x111: {  	[sflag:s10] =	ssyncset.done $0x0  }
0x112: {  	[sflag:s10] =	ssyncadd.s32 $0xFFFFFE00  }
0x113: {  	_ =	swait.ge [sflag:s10], $0x200  }
0x114: {  	[sflag:s10] =	ssyncset.done $0x0  }
0x115: {  	[sflag:s10] =	ssyncadd.s32 $0xFFFFFE00  }
0x116: {  	_ =	swait.ge [sflag:s10], $0x200  }
0x117: {  	[sflag:s10] =	ssyncset.done $0x0  }
0x118: {  	[sflag:s10] =	ssyncadd.s32 $0xFFFFFE00  }
0x119: {  	_ =	swait.ge [sflag:s10], $0x200  }
0x11a: {  	[sflag:s10] =	ssyncset.done $0x0  }
0x11b: {  	[sflag:s10] =	ssyncadd.s32 $0xFFFFFE00  }
0x11c: {  	_ =	swait.ge [sflag:s10], $0x200  }
0x11d: {  	[sflag:s10] =	ssyncset.done $0x0  }
0x11e: {  	[sflag:s10] =	ssyncadd.s32 $0xFFFFFE00  }
0x11f: {  	_ =	swait.ge [sflag:s10], $0x200  }
0x120: {  	[sflag:s10] =	ssyncset.done $0x0  }
0x121: {  	[sflag:s10] =	ssyncadd.s32 $0xFFFFFE00  }
0x122: {  	_ =	swait.ge [sflag:s10], $0x200  }
0x123: {  	[sflag:s10] =	ssyncset.done $0x0  }
0x124: {  	[sflag:s10] =	ssyncadd.s32 $0xFFFFFE00  }
0x125: {  	_ =	swait.ge [sflag:s10], $0x200  }
0x126: {  	[sflag:s10] =	ssyncset.done $0x0  }
0x127: {  	[sflag:s10] =	ssyncadd.s32 $0xFFFFFE00  }
.LBB2_11:
0x128: {  	[bflag:$0x0] =	sbarrier.arrive $0xFFFF;
	s15 =	simm.s32 $0xAE80  }
0x129: {  	[tilespmem:s15], [sflag:$0x8] =	stream.linear.gather [spmem:s21], $0x1A00, $0x38;
	[tilespmem:$0xE500] =	vst v63  }
0x12a: {  	_ =	swait.ge [sflag:s11], $0x1A00  }
0x12b: {  	[sflag:s11] =	ssyncset.done $0x0  }
0x12c: {  	[sflag:s11] =	ssyncadd.s32 $0xFFFFE600  }
0x12d: {  	_ =	swait.ge [sflag:s30], $0x1  }
0x12e: {  	[sflag:s30] =	ssyncset.done $0x0  }
0x12f: {  	s16 =	simm.s32 $0x0;
	[sflag:s30] =	ssyncadd.s32 $0xFFFFFFFF  }
0x130: {  	s18 =	sand.u32 $0x1F0, s16;
	v0 =	vld [tilespmem:s15+$0x0]  }
0x131: {  	v1 =	vld [tilespmem:s18+$0xB080];
	_ =	sdelay $0x1  }
0x132: {  	v2 =	vld [tilespmem:s18+$0xB280];
	_ =	sdelay $0x1  }
0x133: {  	v3 =	vld [tilespmem:s18+$0xB480]  }
0x134: {  	v0 =	vadd.f32 v1, v0  }
0x135: {  	v1 =	vld [tilespmem:s18+$0xB680]  }
0x136: {  	v0 =	vadd.f32 v2, v0  }
0x137: {  	v2 =	vld [tilespmem:s18+$0xB880]  }
0x138: {  	v4 =	vld [tilespmem:$0xCA80];
	v0 =	vadd.f32 v3, v0  }
0x139: {  	s19 =	simm.s32 $0xAE90;
	v3 =	vld [tilespmem:s18+$0xBA80]  }
0x13a: {  	s17 =	simm.s32 $0x10;
	v5 =	vld [tilespmem:s19+$0x0];
	v0 =	vadd.f32 v1, v0  }
0x13b: {  	s16 =	sand.u32 $0x1F0, s17;
	v1 =	vld [tilespmem:s18+$0xBC80]  }
0x13c: {  	v6 =	vld [tilespmem:s16+$0xB080];
	v0 =	vadd.f32 v2, v0  }
0x13d: {  	v2 =	vld [tilespmem:s18+$0xBE80]  }
0x13e: {  	v7 =	vld [tilespmem:s16+$0xB280];
	v0 =	vadd.f32 v3, v0  }
0x13f: {  	v4 =	vnsel vm0, $0x0, v4;
	v3 =	vld [tilespmem:s18+$0xC080]  }
0x140: {  	(xrf2) =	vadd.scan.msk.f32 $0xffff, v4;
	v4 =	vld [tilespmem:s16+$0xB480];
	v0 =	vadd.f32 v1, v0  }
0x141: {  	v1 =	vld [tilespmem:s18+$0xC280]  }
0x142: {  	v5 =	vadd.f32 v6, v5;
	v0 =	vadd.f32 v2, v0  }
0x143: {  	v6 =	vld [tilespmem:s16+$0xB680]  }
0x144: {  	v5 =	vadd.f32 v7, v5;
	v2 =	vld [tilespmem:s18+$0xC480];
	v0 =	vadd.f32 v3, v0  }
0x145: {  	v7 =	vld [tilespmem:s16+$0xB880]  }
0x146: {  	v4 =	vadd.f32 v4, v5;
	v3 =	vld [tilespmem:s18+$0xC680];
	v0 =	vadd.f32 v1, v0  }
0x147: {  	v5 =	vld [tilespmem:s16+$0xBA80]  }
0x148: {  	s17 =	simm.s32 $0xAEA0;
	v4 =	vadd.f32 v6, v4;
	v6 =	vld [tilespmem:s16+$0xBC80];
	s18 =	simm.s32 $0x20  }
0x149: {  	s19 =	sand.u32 $0x1F0, s18;
	v1 =	vld [tilespmem:s17+$0x0];
	v2 =	vadd.f32 v2, v0  }
0x14a: {  	v4 =	vadd.f32 v7, v4;
	v8 =	vld [tilespmem:s19+$0xB080];
	v0, _, _ =	vpop (xrf2)  }
0x14b: {  	v7 =	vld [tilespmem:s16+$0xBE80];
	v2 =	vadd.f32 v3, v2;
	v0 =	vbroadcast v0, $0xF  }
0x14c: {  	v4 =	vadd.f32 v5, v4;
	v3 =	vld [tilespmem:s19+$0xB280]  }
0x14d: {  	v5 =	vld [tilespmem:s16+$0xC080];
	v2 =	vadd.f32 v2, v0  }
0x14e: {  	v4 =	vadd.f32 v6, v4;
	v9 =	vld [tilespmem:s19+$0xB480]  }
0x14f: {  	v6 =	vld [tilespmem:s16+$0xC280];
	v1 =	vadd.f32 v8, v1;
	v2 =	vsub.f32 $0.0e+00, v2  }
0x150: {  	v4 =	vadd.f32 v7, v4;
	v8 =	vld [tilespmem:s19+$0xB680]  }
0x151: {  	v1 =	vadd.f32 v3, v1;
	v3 =	vld [tilespmem:s16+$0xC480];
	v2 =	vmul.f32 $1.442695020e+00, v2  }
0x152: {  	v7 =	vld [tilespmem:s19+$0xB880];
	v4 =	vadd.f32 v5, v4  }
0x153: {  	v5 =	vld [tilespmem:s16+$0xC680];
	v1 =	vadd.f32 v9, v1;
	(erf) = vpow2.f32 v2  }
0x154: {  	s17 =	simm.s32 $0xAEB0;
	v4 =	vadd.f32 v6, v4;
	v2 =	vld [tilespmem:s19+$0xBA80]  }
0x155: {  	s18 =	simm.s32 $0x30;
	v6 =	vld [tilespmem:s17+$0x0];
	v1 =	vadd.f32 v8, v1  }
0x156: {  	s18 =	sand.u32 $0x1F0, s18;
	v8 =	vld [tilespmem:s19+$0xBC80];
	v3 =	vadd.f32 v3, v4  }
0x157: {  	v4 =	vld [tilespmem:s18+$0xB080];
	v1 =	vadd.f32 v7, v1  }
0x158: {  	v7 =	vld [tilespmem:s19+$0xBE80];
	v3 =	vadd.f32 v5, v3  }
0x159: {  	v5 =	vld [tilespmem:s18+$0xB280];
	v1 =	vadd.f32 v2, v1  }
0x15a: {  	v2 =	vld [tilespmem:s19+$0xC080];
	v3 =	vadd.f32 v3, v0  }
0x15b: {  	v61 =	vld [tilespmem:s18+$0xB480];
	v1 =	vadd.f32 v8, v1  }
0x15c: {  	v4 =	vadd.f32 v4, v6;
	v6 =	vld [tilespmem:s19+$0xC280];
	v3 =	vsub.f32 $0.0e+00, v3;
	v8 =	vpop (erf)  }
0x15d: {  	v10 =	vld [tilespmem:s18+$0xB680];
	v1 =	vadd.f32 v7, v1;
	v7 =	vadd.f32 $1.000000000e+00, v8  }
0x15e: {  	v4 =	vadd.f32 v5, v4;
	v5 =	vld [tilespmem:s19+$0xC480];
	v3 =	vmul.f32 $1.442695020e+00, v3  }
0x15f: {  	v8 =	vld [tilespmem:s18+$0xB880];
	v1 =	vadd.f32 v2, v1;
	(erf) = vrcp.f32 v7  }
0x160: {  	v2 =	vadd.f32 v61, v4;
	v4 =	vld [tilespmem:s19+$0xC680];
	(erf) = vpow2.f32 v3  }
0x161: {  	v3 =	vld [tilespmem:s18+$0xBA80];
	v1 =	vadd.f32 v6, v1  }
0x162: {  	s17 =	simm.s32 $0x40;
	s19 =	simm.s32 $0xAEC0;
	v7 =	vld [tilespmem:s18+$0xBC80];
	v2 =	vadd.f32 v10, v2  }
0x163: {  	s15 =	sand.u32 $0x1F0, s17;
	v6 =	vld [tilespmem:s19+$0x0];
	v1 =	vadd.f32 v5, v1  }
0x164: {  	v5 =	vld [tilespmem:s15+$0xB080];
	v2 =	vadd.f32 v8, v2  }
0x165: {  	v8 =	vld [tilespmem:s18+$0xBE80];
	v1 =	vadd.f32 v4, v1  }
0x166: {  	v4 =	vld [tilespmem:s15+$0xB280];
	v2 =	vadd.f32 v3, v2  }
0x167: {  	v3 =	vld [tilespmem:s18+$0xC080];
	v1 =	vadd.f32 v1, v0  }
0x168: {  	v62 =	vld [tilespmem:s15+$0xB480];
	v2 =	vadd.f32 v7, v2;
	v7 =	vpop (erf)  }
0x169: {  	v63 =	vld [tilespmem:s18+$0xC280];
	v5 =	vadd.f32 v5, v6;
	v6 =	vsub.f32 $0.0e+00, v1;
	v11 =	vpop (erf)  }
0x16a: {  	v1 =	vld [tilespmem:s15+$0xB680];
	v8 =	vadd.f32 v8, v2;
	v11 =	vadd.f32 $1.000000000e+00, v11  }
0x16b: {  	v2 =	vld [tilespmem:s18+$0xC480];
	v5 =	vadd.f32 v4, v5;
	v12 =	vmul.f32 $1.442695020e+00, v6  }
0x16c: {  	v8 =	vadd.f32 v3, v8;
	v3 =	vld [tilespmem:s15+$0xB880];
	(erf) = vrcp.f32 v11  }
0x16d: {  	s16 =	simm.s32 $0xC880;
	v4 =	vld [tilespmem:s18+$0xC680];
	v6 =	vadd.f32 v62, v5;
	(erf) = vpow2.f32 v12  }
0x16e: {  	[tilespmem:s16+$0x0] =	vst v7;
	s18 =	simm.s32 $0xAED0;
	v5 =	vld [tilespmem:s15+$0xBA80];
	v7 =	vadd.f32 v63, v8  }
.LBB2_12:
0x16f: {  	s17 =	sadd.s32 $0x10, s17;
	v8 =	vld [tilespmem:s18+$0x0];
	v1 =	vadd.f32 v1, v6  }
0x170: {  	s19 =	sand.u32 $0x1F0, s17;
	p1 =	slt.u32 s17, $0x1F0;
	v6 =	vld [tilespmem:s15+$0xBC80];
	v2 =	vadd.f32 v2, v7  }
0x171: {  	v7 =	vld [tilespmem:s19+$0xB080];
	v1 =	vadd.f32 v3, v1  }
0x172: {  	v3 =	vld [tilespmem:s15+$0xBE80];
	v2 =	vadd.f32 v4, v2  }
0x173: {  	v4 =	vld [tilespmem:s19+$0xB280];
	v10 =	vadd.f32 v5, v1  }
0x174: {  	v5 =	vld [tilespmem:s15+$0xC080];
	v11 =	vadd.f32 v2, v0  }
0x175: {  	s16 =	sadd.s32 $0x10, s16;
	v9 =	vld [tilespmem:s19+$0xB480];
	v6 =	vadd.f32 v6, v10;
	v1 =	vpop (erf)  }
0x176: {  	v7 =	vadd.f32 v7, v8;
	v8 =	vld [tilespmem:s15+$0xC280];
	v10 =	vsub.f32 $0.0e+00, v11;
	v2 =	vpop (erf);
	[tilespmem:s16+$0x0] =	vst v1  }
.Ltmp5:
0x177: {  	v1 =	vld [tilespmem:s19+$0xB680];
	v6 =	vadd.f32 v3, v6;
	v11 =	vadd.f32 $1.000000000e+00, v2;
	(pc) =	sbr.rel @p1 .LBB2_12-.Ltmp5, $4  }
0x178: {  	v4 =	vadd.f32 v4, v7;
	v2 =	vld [tilespmem:s15+$0xC480];
	v7 =	vmul.f32 $1.442695020e+00, v10  }
0x179: {  	v3 =	vld [tilespmem:s19+$0xB880];
	v10 =	vadd.f32 v5, v6;
	(erf) = vrcp.f32 v11  }
0x17a: {  	v6 =	vadd.f32 v9, v4;
	v4 =	vld [tilespmem:s15+$0xC680];
	(erf) = vpow2.f32 v7;
	s15 =	smov.u32 s19  }
0x17b: {  	s18 =	sadd.s32 $0x10, s18;
	v5 =	vld [tilespmem:s15+$0xBA80];
	v7 =	vadd.f32 v8, v10  }
0x17c: {  	v1 =	vadd.f32 v1, v6  }
0x17d: {  	v50 =	vld [tilespmem:s15+$0xBC80];
	v2 =	vadd.f32 v2, v7  }
0x17e: {  	v1 =	vadd.f32 v3, v1  }
0x17f: {  	v51 =	vld [tilespmem:s15+$0xBE80];
	v2 =	vadd.f32 v4, v2  }
0x180: {  	v1 =	vadd.f32 v5, v1  }
0x181: {  	v52 =	vld [tilespmem:s15+$0xC080];
	v2 =	vadd.f32 v2, v0  }
0x182: {  	v1 =	vadd.f32 v50, v1;
	v53 =	vpop (erf)  }
0x183: {  	v54 =	vld [tilespmem:s15+$0xC280];
	v2 =	vsub.f32 $0.0e+00, v2;
	v55 =	vpop (erf)  }
0x184: {  	v1 =	vadd.f32 v51, v1;
	v56 =	vadd.f32 $1.000000000e+00, v55  }
0x185: {  	v57 =	vld [tilespmem:s15+$0xC480];
	v2 =	vmul.f32 $1.442695020e+00, v2  }
0x186: {  	v1 =	vadd.f32 v52, v1;
	(erf) = vrcp.f32 v56  }
0x187: {  	v58 =	vld [tilespmem:s15+$0xC680];
	(erf) = vpow2.f32 v2  }
0x188: {  	v1 =	vadd.f32 v54, v1;
	_ =	sdelay $0x1  }
0x189: {  	v1 =	vadd.f32 v57, v1;
	_ =	sdelay $0x1  }
0x18a: {  	v1 =	vadd.f32 v58, v1;
	_ =	sdelay $0x1  }
0x18b: {  	v59 =	vadd.f32 v1, v0  }
0x18c: {  	v60 =	vpop (erf)  }
0x18d: {  	v0 =	vsub.f32 $0.0e+00, v59;
	v2 =	vpop (erf)  }
0x18e: {  	v2 =	vadd.f32 $1.000000000e+00, v2  }
0x18f: {  	v0 =	vmul.f32 $1.442695020e+00, v0  }
0x190: {  	(erf) = vrcp.f32 v2  }
0x191: {  	(erf) = vpow2.f32 v0;
	_ =	sdelay $0x7  }
0x192: {  	v61 =	vpop (erf)  }
0x193: {  	v62 =	vpop (erf)  }
0x194: {  	v2 =	vadd.f32 $1.000000000e+00, v62;
	_ =	sdelay $0x1  }
0x195: {  	(erf) = vrcp.f32 v2;
	_ =	sdelay $0x5  }
0x196: {  	s19 =	sadd.s32 $0x10, s16  }
0x197: {  	s15 =	sadd.s32 $0x10, s19;
	[tilespmem:s19+$0x0] =	vst v53  }
0x198: {  	s14 =	sadd.s32 $0x1, s14;
	[tilespmem:s15+$0x0] =	vst v60;
	s15 =	sadd.s32 $0x10, s15  }
0x199: {  	p1 =	sne.s32 s14, s25;
	[tilespmem:s15+$0x0] =	vst v61;
	s15 =	sadd.s32 $0x10, s15;
	v63 =	vpop (erf)  }
.Ltmp6:
0x19a: {  	[tilespmem:s15+$0x0] =	vst v63;
	(pc) =	sbr.rel @p1 .LBB2_1-.Ltmp6, $4  }
0x19b: {  	[hbm4b:s23+s2] =	stream.linear.scatter [tilespmem:s12], [sflag:$0xA], $0x200, $0x38;
	[tilespmem:$0xE500] =	vst v63  }
0x19c: {  	_ =	swait.ge [sflag:s13], $0x200  }
0x19d: {  	[sflag:s13] =	ssyncset.done $0x0  }
0x19e: {  	[sflag:s13] =	ssyncadd.s32 $0xFFFFFE00  }
0x19f: {  	_ =	sfence.sel $0x180000  }
0x1a0: {  	[bflag:$0x0] =	sbarrier.arrive $0xFFFF  }
0x1a1: {  	_ =	strace $0x90000047  }
0x1a2: {  	s0 =	stileid.u32;
	[bflag:$0x2] =	sbarrier.arrive $0xFFFF  }
0x1a3: {  	p0 =	sne.s32 s0, $0x0;
	s0 =	rddreg [dreg:$0x5]  }
0x1a4: {  	s0 =	sadd.s32 @!p0 $0x100000, s0  }
0x1a5: {  	[sflag:s0] =	ssyncadd.tile.s32 @!p0 $0x1;
	_ =	shalt  }
.Lfunc_end2:
_tile_overlayer_lowered:
.L_overlay_start_2:
0x1a6: {  	(tag) =	ssettag $0x2  }
0x1a7: {  	s0 =	rddreg [dreg:$0x0];
	s2 =	stileid.u32  }
0x1a8: {  	s1 =	rddreg [dreg:$0x1];
	p0 =	sne.s32 s2, $0x0  }
0x1a9: {  	s3 =	rddreg [dreg:$0x2];
	[bflag:$0x3] =	sbarrier.arrive $0xFFFF;
	s2 =	simm.s32 @!p0 $0x1C0A  }
0x1aa: {  	[timem:s3], [sflag:s2] =	dma.local @!p0 [hbm:s0], s1  }
0x1ab: {  	s0 =	simm.s32 @!p0 $0xA  }
0x1ac: {  	_ =	swait.ge @!p0 [sflag:s0], s1  }
0x1ad: {  	s1 =	ssub.s32 @!p0 $0x0, s1;
	[sflag:s0] =	ssyncset.done @!p0 $0x0  }
0x1ae: {  	[sflag:s0] =	ssyncadd.s32 @!p0 s1  }
0x1af: {  	[bflag:$0x3] =	sbarrier.arrive $0xFFFF  }
0x1b0: {  	_ =	shalt  }

</sc_bundles>
